<compile_context>
chip_gen: v7x
topology: tpu7x:2x2x1
jax: 0.10.2.dev20260603
libtpu: 0.0.44.dev20260713+nightly
codegen_flags: <defaults>
</compile_context>

<pallas_src>
import jax
import jax.numpy as jnp
from jax import lax
from jax.experimental import pallas as pl
from jax.experimental.pallas import tpu as pltpu
from jax.experimental.pallas import tpu_sc as plsc

N_NODES = 100000
MEM_DIM = 128
MSG_DIM = 128
B = 16384

NC = 2
NS = 16
L = 16
NW = NC * NS

RNG = 3136
LAST = N_NODES - (NW - 1) * RNG
WIN_SIZE = NW * RNG
NCHUNK = B // L
BPW = B // NW

_mesh = plsc.VectorSubcoreMesh(
    core_axis_name="c", subcore_axis_name="s", num_cores=NC, num_subcores=NS
)
_sc_params = pltpu.CompilerParams(needs_layout_passes=False)


def _worker_id():
  return lax.axis_index("s") * NC + lax.axis_index("c")


CPBLK = 5000


def _copy_body(x_ref, o_ref):
  o_ref[...] = x_ref[...]


def _table_copy(table):
  return pl.pallas_call(
      _copy_body,
      grid=(N_NODES // CPBLK,),
      in_specs=[pl.BlockSpec((CPBLK, MSG_DIM), lambda i: (i, 0))],
      out_specs=pl.BlockSpec((CPBLK, MSG_DIM), lambda i: (i, 0)),
      out_shape=jax.ShapeDtypeStruct((N_NODES, MSG_DIM), jnp.float32),
  )(table)


_SENT = 0x40000000


def _dupkill_body(n_ref, o_ref):
  rows = [n_ref[s, :] for s in range(L)]
  for s in range(L - 1):
    kill = rows[s] != rows[s]
    for t in range(s + 1, L):
      kill = kill | (rows[s] == rows[t])
    o_ref[s, :] = jnp.where(kill, _SENT, rows[s])
  o_ref[L - 1, :] = rows[L - 1]


def _dupkill(nodes_lanemajor):
  return pl.pallas_call(
      _dupkill_body,
      out_shape=jax.ShapeDtypeStruct((L, NCHUNK), jnp.int32),
  )(nodes_lanemajor)


def _winner_body(nodes_hbm, ts_in_hbm, tsb_hbm, win_out, ts_out,
                 nodes_v, win_v, tsb_v, tsloc, sem):
  wid = _worker_id()
  base = wid * RNG
  pltpu.sync_copy(nodes_hbm, nodes_v)
  pltpu.sync_copy(tsb_hbm, tsb_v)
  @pl.when(wid < NW - 1)
  def _():
    pltpu.sync_copy(ts_in_hbm.at[pl.ds(base, RNG)], tsloc)

  @pl.when(wid == NW - 1)
  def _():
    pltpu.sync_copy(ts_in_hbm.at[pl.ds(base, LAST)], tsloc.at[pl.ds(0, LAST)])

  lane = lax.iota(jnp.int32, L)

  def chunk(c, carry):
    n = nodes_v[pl.ds(c * L, L)]
    i_vec = c * L + lane
    m = (n >= base) & (n < base + RNG)
    loc = jnp.where(m, n - base, 0)
    plsc.store_scatter(win_v, [loc], i_vec, mask=m)
    tsv = tsb_v[pl.ds(c * L, L)]
    plsc.store_scatter(tsloc, [loc], tsv, mask=m)
    return carry

  lax.fori_loop(0, NCHUNK, chunk, 0)
  pltpu.sync_copy(win_v, win_out.at[pl.ds(base, RNG)])

  @pl.when(wid < NW - 1)
  def _():
    pltpu.sync_copy(tsloc, ts_out.at[pl.ds(base, RNG)])

  @pl.when(wid == NW - 1)
  def _():
    pltpu.sync_copy(tsloc.at[pl.ds(0, LAST)], ts_out.at[pl.ds(base, LAST)])


_winner_kernel = pl.kernel(
    _winner_body,
    out_type=(
        jax.ShapeDtypeStruct((WIN_SIZE,), jnp.int32),
        jax.ShapeDtypeStruct((N_NODES,), jnp.float32),
    ),
    mesh=_mesh,
    compiler_params=_sc_params,
    scratch_types=[
        pltpu.VMEM((B,), jnp.int32),
        pltpu.VMEM((RNG,), jnp.int32),
        pltpu.VMEM((B,), jnp.float32),
        pltpu.VMEM((RNG,), jnp.float32),
        pltpu.SemaphoreType.DMA,
    ],
)


BPQ = BPW // 4


def _gout_body(mem_hbm, nodes_hbm, gout_hbm, nodes_v, buf0, buf1, sem0, sem1):
  wid = _worker_id()
  b0 = wid * BPW
  pltpu.sync_copy(nodes_hbm.at[pl.ds(b0, BPW)], nodes_v)
  nq = [nodes_v.at[pl.ds(q * BPQ, BPQ)] for q in range(4)]
  g0 = pltpu.async_copy(mem_hbm.at[nq[0]], buf0, sem0)
  g1 = pltpu.async_copy(mem_hbm.at[nq[1]], buf1, sem1)
  g0.wait()
  w0 = pltpu.async_copy(buf0, gout_hbm.at[pl.ds(b0, BPQ)], sem0)
  g1.wait()
  w1 = pltpu.async_copy(buf1, gout_hbm.at[pl.ds(b0 + BPQ, BPQ)], sem1)
  w0.wait()
  g2 = pltpu.async_copy(mem_hbm.at[nq[2]], buf0, sem0)
  w1.wait()
  g3 = pltpu.async_copy(mem_hbm.at[nq[3]], buf1, sem1)
  g2.wait()
  w2 = pltpu.async_copy(buf0, gout_hbm.at[pl.ds(b0 + 2 * BPQ, BPQ)], sem0)
  g3.wait()
  w3 = pltpu.async_copy(buf1, gout_hbm.at[pl.ds(b0 + 3 * BPQ, BPQ)], sem1)
  w2.wait()
  w3.wait()


_gout_kernel = pl.kernel(
    _gout_body,
    out_type=jax.ShapeDtypeStruct((B, MEM_DIM), jnp.float32),
    mesh=_mesh,
    compiler_params=_sc_params,
    scratch_types=[
        pltpu.VMEM((BPW,), jnp.int32),
        pltpu.VMEM((BPQ, MSG_DIM), jnp.float32),
        pltpu.VMEM((BPQ, MSG_DIM), jnp.float32),
        pltpu.SemaphoreType.DMA,
        pltpu.SemaphoreType.DMA,
    ],
)


def _scatter_body(msg_hbm, nodes_hbm, win_hbm,
                  table_ref, dummy_out,
                  nodes_v, win_v, rowsG, semB):
  wid = _worker_id()
  b0 = wid * BPW
  pltpu.sync_copy(nodes_hbm.at[pl.ds(b0, BPW)], nodes_v)
  cb1 = pltpu.async_copy(win_hbm.at[nodes_v], win_v, semB)
  cb1.wait()
  cb2 = pltpu.async_copy(msg_hbm.at[win_v], rowsG, semB)
  cb2.wait()
  cb3 = pltpu.async_copy(rowsG, table_ref.at[nodes_v], semB)
  cb3.wait()
  @pl.when(wid == 0)
  def _():
    pltpu.sync_copy(nodes_v.at[pl.ds(0, L)], dummy_out)


_scatter_kernel = pl.kernel(
    _scatter_body,
    out_type=jax.ShapeDtypeStruct((L,), jnp.int32),
    mesh=_mesh,
    compiler_params=_sc_params,
    scratch_types=[
        pltpu.VMEM((BPW,), jnp.int32),
        pltpu.VMEM((BPW,), jnp.int32),
        pltpu.VMEM((BPW, MSG_DIM), jnp.float32),
        pltpu.SemaphoreType.DMA,
    ],
)


def kernel(memory, messages_table, timestamps_table, messages, timestamps,
           nodes):
  nodes_dk = _dupkill(jnp.reshape(nodes, (NCHUNK, L)).T)
  nodes_dk = jnp.reshape(nodes_dk.T, (B,))
  gathered = _gout_kernel(memory, nodes)
  winner, ts_new = _winner_kernel(nodes_dk, timestamps_table, timestamps)
  t_copy = _table_copy(messages_table)
  t_ref = jax.new_ref(t_copy)
  _ = _scatter_kernel(messages, nodes, winner, t_ref)
  return gathered, jax.freeze(t_ref), ts_new

# --- scband reference (transcript-rebuilt; emitter-appended) ---
"""Pipeline reference for scband-memory-85804856639716 (READ-ONLY COPY).

The authoritative reference and input builder live on the scoring server;
editing this copy changes nothing except your own understanding.
"""

import jax, jax.numpy as jnp
import numpy as np

N_NODES = 100000
MEM_DIM = 128
MSG_DIM = 128
B = 16384


def setup_inputs(seed: int = 0) -> dict:
    key = jax.random.key(seed)
    k1, k2, k3 = jax.random.split(key, 3)
    memory = jnp.zeros((N_NODES, MEM_DIM), dtype=jnp.float32)
    messages_table = jnp.zeros((N_NODES, MSG_DIM), dtype=jnp.float32)
    timestamps_table = jnp.zeros((N_NODES,), dtype=jnp.float32)
    nodes = jax.random.randint(k1, (B,), 0, N_NODES, dtype=jnp.int32)
    messages = jax.random.normal(k2, (B, MSG_DIM), dtype=jnp.float32)
    timestamps = jax.random.uniform(k3, (B,), dtype=jnp.float32)
    return {
        'memory': memory,
        'messages_table': messages_table,
        'timestamps_table': timestamps_table,
        'messages': messages,
        'timestamps': timestamps,
        'nodes': nodes,
    }


def reference(memory, messages_table, timestamps_table, messages, timestamps, nodes):
    # store_raw_messages: scatter-overwrite messages/timestamps at node indices
    new_messages_table = messages_table.at[nodes].set(messages)
    new_timestamps_table = timestamps_table.at[nodes].set(timestamps)
    # get_memory: gather memory rows for the batch of nodes
    gathered_memory = jnp.take(memory, nodes, axis=0)
    return (gathered_memory, new_messages_table, new_timestamps_table)

if __name__ == "__main__":
    import jax
    _d = setup_inputs()
    print(jax.jit(kernel)(*tuple(_d.values())))

</pallas_src>

<mosaic_0001>
#map = affine_map<(d0, d1) -> (0, 0)>
#map1 = affine_map<(d0, d1) -> (0)>
module attributes {stable_mosaic.version = 14 : i64} {
  func.func @_gout_body(%arg0: i32, %arg1: i32, %arg2: memref<100000x128xf32, #tpu.memory_space<hbm>>, %arg3: memref<16384xi32, #tpu.memory_space<hbm>>, %arg4: memref<16384x128xf32, #tpu.memory_space<hbm>>, %arg5: memref<512xi32, #tpu.memory_space<vmem>>, %arg6: memref<128x128xf32, #tpu.memory_space<vmem>>, %arg7: memref<128x128xf32, #tpu.memory_space<vmem>>, %arg8: memref<!tpu.dma_semaphore, #tpu.memory_space<semaphore_mem>>, %arg9: memref<!tpu.dma_semaphore, #tpu.memory_space<semaphore_mem>>) attributes {dimension_semantics = [#tpu.dimension_semantics<core_parallel>, #tpu.dimension_semantics<subcore_parallel>], iteration_bounds = array<i64: 2, 16>, scalar_prefetch = 0 : i64, scratch_operands = 5 : i64, tpu.core_type = #tpu.core_type<sc_vector_subcore>, window_params = [{transform_indices = #map}, {transform_indices = #map1}, {transform_indices = #map}]} {
    %mul3A = arith.constant 2 : i32
    %mul3A_0 = arith.muli %arg1, %mul3A : i32
    %add3A = arith.addi %mul3A_0, %arg0 : i32
    %mul3A_1 = arith.constant 512 : i32
    %mul3A_2 = arith.muli %add3A, %mul3A_1 : i32
    "tpu.region"() ({
      %run_scoped3A = tpu.sem_alloc : memref<!tpu.dma_semaphore, #tpu.memory_space<semaphore_mem>>
      %dma_start3A_79 = tpu.memref_slice %arg3[%mul3A_2] : memref<16384xi32, #tpu.memory_space<hbm>> -> memref<512xi32, #tpu.memory_space<hbm>>
      %dma_start3A_80 = tpu.memref_slice %arg3[%mul3A_2] : memref<16384xi32, #tpu.memory_space<hbm>> -> memref<512xi32, #tpu.memory_space<hbm>>
      tpu.enqueue_dma source(%dma_start3A_80 : memref<512xi32, #tpu.memory_space<hbm>>) target(%arg5 : memref<512xi32, #tpu.memory_space<vmem>>) target_semaphore(%run_scoped3A : memref<!tpu.dma_semaphore, #tpu.memory_space<semaphore_mem>>)
      %dma_wait3A_81 = tpu.memref_slice %arg3[%mul3A_2] : memref<16384xi32, #tpu.memory_space<hbm>> -> memref<512xi32, #tpu.memory_space<hbm>>
      %dma_wait3A_82 = tpu.memref_slice %arg3[%mul3A_2] : memref<16384xi32, #tpu.memory_space<hbm>> -> memref<512xi32, #tpu.memory_space<hbm>>
      tpu.wait_dma2 semaphore(%run_scoped3A : memref<!tpu.dma_semaphore, #tpu.memory_space<semaphore_mem>>) src(%dma_wait3A_82 : memref<512xi32, #tpu.memory_space<hbm>>) dst(%arg5 : memref<512xi32, #tpu.memory_space<vmem>>)
      tpu.yield
    }) : () -> ()
    %dma_start3A = arith.constant 0 : i32
    %dma_start3A_3 = tpu.memref_slice %arg5[%dma_start3A] : memref<512xi32, #tpu.memory_space<vmem>> -> memref<128xi32, #tpu.memory_space<vmem>>
    %dma_start3A_4 = arith.constant 0 : i32
    %dma_start3A_5 = arith.constant 0 : i32
    %dma_start3A_6 = tpu.memref_slice %arg2[%dma_start3A_4, %dma_start3A_5] : memref<100000x128xf32, #tpu.memory_space<hbm>> -> memref<100000x128xf32, #tpu.memory_space<hbm>>
    tpu.enqueue_indirect_dma source(%dma_start3A_6 : memref<100000x128xf32, #tpu.memory_space<hbm>>) target(%arg6 : memref<128x128xf32, #tpu.memory_space<vmem>>) offsets(%dma_start3A_3 : memref<128xi32, #tpu.memory_space<vmem>>) semaphore(%arg8 : memref<!tpu.dma_semaphore, #tpu.memory_space<semaphore_mem>>)
    %dma_start3A_7 = arith.constant 128 : i32
    %dma_start3A_8 = tpu.memref_slice %arg5[%dma_start3A_7] : memref<512xi32, #tpu.memory_space<vmem>> -> memref<128xi32, #tpu.memory_space<vmem>>
    %dma_start3A_9 = arith.constant 0 : i32
    %dma_start3A_10 = arith.constant 0 : i32
    %dma_start3A_11 = tpu.memref_slice %arg2[%dma_start3A_9, %dma_start3A_10] : memref<100000x128xf32, #tpu.memory_space<hbm>> -> memref<100000x128xf32, #tpu.memory_space<hbm>>
    tpu.enqueue_indirect_dma source(%dma_start3A_11 : memref<100000x128xf32, #tpu.memory_space<hbm>>) target(%arg7 : memref<128x128xf32, #tpu.memory_space<vmem>>) offsets(%dma_start3A_8 : memref<128xi32, #tpu.memory_space<vmem>>) semaphore(%arg9 : memref<!tpu.dma_semaphore, #tpu.memory_space<semaphore_mem>>)
    %dma_wait3A = arith.constant 0 : i32
    %dma_wait3A_12 = tpu.memref_slice %arg5[%dma_wait3A] : memref<512xi32, #tpu.memory_space<vmem>> -> memref<128xi32, #tpu.memory_space<vmem>>
    %dma_wait3A_13 = arith.constant 0 : i32
    %dma_wait3A_14 = arith.constant 0 : i32
    %dma_wait3A_15 = tpu.memref_slice %arg2[%dma_wait3A_13, %dma_wait3A_14] : memref<100000x128xf32, #tpu.memory_space<hbm>> -> memref<100000x128xf32, #tpu.memory_space<hbm>>
    tpu.wait_indirect_dma semaphore(%arg8 : memref<!tpu.dma_semaphore, #tpu.memory_space<semaphore_mem>>) src(%dma_wait3A_15 : memref<100000x128xf32, #tpu.memory_space<hbm>>) dst(%arg6 : memref<128x128xf32, #tpu.memory_space<vmem>>)
    %dma_start3A_16 = arith.constant 0 : i32
    %dma_start3A_17 = tpu.memref_slice %arg4[%mul3A_2, %dma_start3A_16] : memref<16384x128xf32, #tpu.memory_space<hbm>> -> memref<128x128xf32, #tpu.memory_space<hbm>>
    %dma_start3A_18 = arith.constant 0 : i32
    %dma_start3A_19 = tpu.memref_slice %arg4[%mul3A_2, %dma_start3A_18] : memref<16384x128xf32, #tpu.memory_space<hbm>> -> memref<128x128xf32, #tpu.memory_space<hbm>>
    tpu.enqueue_dma source(%arg6 : memref<128x128xf32, #tpu.memory_space<vmem>>) target(%dma_start3A_19 : memref<128x128xf32, #tpu.memory_space<hbm>>) target_semaphore(%arg8 : memref<!tpu.dma_semaphore, #tpu.memory_space<semaphore_mem>>)
    %dma_wait3A_20 = arith.constant 128 : i32
    %dma_wait3A_21 = tpu.memref_slice %arg5[%dma_wait3A_20] : memref<512xi32, #tpu.memory_space<vmem>> -> memref<128xi32, #tpu.memory_space<vmem>>
    %dma_wait3A_22 = arith.constant 0 : i32
    %dma_wait3A_23 = arith.constant 0 : i32
    %dma_wait3A_24 = tpu.memref_slice %arg2[%dma_wait3A_22, %dma_wait3A_23] : memref<100000x128xf32, #tpu.memory_space<hbm>> -> memref<100000x128xf32, #tpu.memory_space<hbm>>
    tpu.wait_indirect_dma semaphore(%arg9 : memref<!tpu.dma_semaphore, #tpu.memory_space<semaphore_mem>>) src(%dma_wait3A_24 : memref<100000x128xf32, #tpu.memory_space<hbm>>) dst(%arg7 : memref<128x128xf32, #tpu.memory_space<vmem>>)
    %add3A_25 = arith.constant 128 : i32
    %add3A_26 = arith.addi %mul3A_2, %add3A_25 : i32
    %dma_start3A_27 = arith.constant 0 : i32
    %dma_start3A_28 = tpu.memref_slice %arg4[%add3A_26, %dma_start3A_27] : memref<16384x128xf32, #tpu.memory_space<hbm>> -> memref<128x128xf32, #tpu.memory_space<hbm>>
    %dma_start3A_29 = arith.constant 0 : i32
    %dma_start3A_30 = tpu.memref_slice %arg4[%add3A_26, %dma_start3A_29] : memref<16384x128xf32, #tpu.memory_space<hbm>> -> memref<128x128xf32, #tpu.memory_space<hbm>>
    tpu.enqueue_dma source(%arg7 : memref<128x128xf32, #tpu.memory_space<vmem>>) target(%dma_start3A_30 : memref<128x128xf32, #tpu.memory_space<hbm>>) target_semaphore(%arg9 : memref<!tpu.dma_semaphore, #tpu.memory_space<semaphore_mem>>)
    %dma_wait3A_31 = arith.constant 0 : i32
    %dma_wait3A_32 = tpu.memref_slice %arg4[%mul3A_2, %dma_wait3A_31] : memref<16384x128xf32, #tpu.memory_space<hbm>> -> memref<128x128xf32, #tpu.memory_space<hbm>>
    %dma_wait3A_33 = arith.constant 0 : i32
    %dma_wait3A_34 = tpu.memref_slice %arg4[%mul3A_2, %dma_wait3A_33] : memref<16384x128xf32, #tpu.memory_space<hbm>> -> memref<128x128xf32, #tpu.memory_space<hbm>>
    tpu.wait_dma2 semaphore(%arg8 : memref<!tpu.dma_semaphore, #tpu.memory_space<semaphore_mem>>) src(%arg6 : memref<128x128xf32, #tpu.memory_space<vmem>>) dst(%dma_wait3A_34 : memref<128x128xf32, #tpu.memory_space<hbm>>)
    %dma_start3A_35 = arith.constant 256 : i32
    %dma_start3A_36 = tpu.memref_slice %arg5[%dma_start3A_35] : memref<512xi32, #tpu.memory_space<vmem>> -> memref<128xi32, #tpu.memory_space<vmem>>
    %dma_start3A_37 = arith.constant 0 : i32
    %dma_start3A_38 = arith.constant 0 : i32
    %dma_start3A_39 = tpu.memref_slice %arg2[%dma_start3A_37, %dma_start3A_38] : memref<100000x128xf32, #tpu.memory_space<hbm>> -> memref<100000x128xf32, #tpu.memory_space<hbm>>
    tpu.enqueue_indirect_dma source(%dma_start3A_39 : memref<100000x128xf32, #tpu.memory_space<hbm>>) target(%arg6 : memref<128x128xf32, #tpu.memory_space<vmem>>) offsets(%dma_start3A_36 : memref<128xi32, #tpu.memory_space<vmem>>) semaphore(%arg8 : memref<!tpu.dma_semaphore, #tpu.memory_space<semaphore_mem>>)
    %dma_wait3A_40 = arith.constant 0 : i32
    %dma_wait3A_41 = tpu.memref_slice %arg4[%add3A_26, %dma_wait3A_40] : memref<16384x128xf32, #tpu.memory_space<hbm>> -> memref<128x128xf32, #tpu.memory_space<hbm>>
    %dma_wait3A_42 = arith.constant 0 : i32
    %dma_wait3A_43 = tpu.memref_slice %arg4[%add3A_26, %dma_wait3A_42] : memref<16384x128xf32, #tpu.memory_space<hbm>> -> memref<128x128xf32, #tpu.memory_space<hbm>>
    tpu.wait_dma2 semaphore(%arg9 : memref<!tpu.dma_semaphore, #tpu.memory_space<semaphore_mem>>) src(%arg7 : memref<128x128xf32, #tpu.memory_space<vmem>>) dst(%dma_wait3A_43 : memref<128x128xf32, #tpu.memory_space<hbm>>)
    %dma_start3A_44 = arith.constant 384 : i32
    %dma_start3A_45 = tpu.memref_slice %arg5[%dma_start3A_44] : memref<512xi32, #tpu.memory_space<vmem>> -> memref<128xi32, #tpu.memory_space<vmem>>
    %dma_start3A_46 = arith.constant 0 : i32
    %dma_start3A_47 = arith.constant 0 : i32
    %dma_start3A_48 = tpu.memref_slice %arg2[%dma_start3A_46, %dma_start3A_47] : memref<100000x128xf32, #tpu.memory_space<hbm>> -> memref<100000x128xf32, #tpu.memory_space<hbm>>
    tpu.enqueue_indirect_dma source(%dma_start3A_48 : memref<100000x128xf32, #tpu.memory_space<hbm>>) target(%arg7 : memref<128x128xf32, #tpu.memory_space<vmem>>) offsets(%dma_start3A_45 : memref<128xi32, #tpu.memory_space<vmem>>) semaphore(%arg9 : memref<!tpu.dma_semaphore, #tpu.memory_space<semaphore_mem>>)
    %dma_wait3A_49 = arith.constant 256 : i32
    %dma_wait3A_50 = tpu.memref_slice %arg5[%dma_wait3A_49] : memref<512xi32, #tpu.memory_space<vmem>> -> memref<128xi32, #tpu.memory_space<vmem>>
    %dma_wait3A_51 = arith.constant 0 : i32
    %dma_wait3A_52 = arith.constant 0 : i32
    %dma_wait3A_53 = tpu.memref_slice %arg2[%dma_wait3A_51, %dma_wait3A_52] : memref<100000x128xf32, #tpu.memory_space<hbm>> -> memref<100000x128xf32, #tpu.memory_space<hbm>>
    tpu.wait_indirect_dma semaphore(%arg8 : memref<!tpu.dma_semaphore, #tpu.memory_space<semaphore_mem>>) src(%dma_wait3A_53 : memref<100000x128xf32, #tpu.memory_space<hbm>>) dst(%arg6 : memref<128x128xf32, #tpu.memory_space<vmem>>)
    %add3A_54 = arith.constant 256 : i32
    %add3A_55 = arith.addi %mul3A_2, %add3A_54 : i32
    %dma_start3A_56 = arith.constant 0 : i32
    %dma_start3A_57 = tpu.memref_slice %arg4[%add3A_55, %dma_start3A_56] : memref<16384x128xf32, #tpu.memory_space<hbm>> -> memref<128x128xf32, #tpu.memory_space<hbm>>
    %dma_start3A_58 = arith.constant 0 : i32
    %dma_start3A_59 = tpu.memref_slice %arg4[%add3A_55, %dma_start3A_58] : memref<16384x128xf32, #tpu.memory_space<hbm>> -> memref<128x128xf32, #tpu.memory_space<hbm>>
    tpu.enqueue_dma source(%arg6 : memref<128x128xf32, #tpu.memory_space<vmem>>) target(%dma_start3A_59 : memref<128x128xf32, #tpu.memory_space<hbm>>) target_semaphore(%arg8 : memref<!tpu.dma_semaphore, #tpu.memory_space<semaphore_mem>>)
    %dma_wait3A_60 = arith.constant 384 : i32
    %dma_wait3A_61 = tpu.memref_slice %arg5[%dma_wait3A_60] : memref<512xi32, #tpu.memory_space<vmem>> -> memref<128xi32, #tpu.memory_space<vmem>>
    %dma_wait3A_62 = arith.constant 0 : i32
    %dma_wait3A_63 = arith.constant 0 : i32
    %dma_wait3A_64 = tpu.memref_slice %arg2[%dma_wait3A_62, %dma_wait3A_63] : memref<100000x128xf32, #tpu.memory_space<hbm>> -> memref<100000x128xf32, #tpu.memory_space<hbm>>
    tpu.wait_indirect_dma semaphore(%arg9 : memref<!tpu.dma_semaphore, #tpu.memory_space<semaphore_mem>>) src(%dma_wait3A_64 : memref<100000x128xf32, #tpu.memory_space<hbm>>) dst(%arg7 : memref<128x128xf32, #tpu.memory_space<vmem>>)
    %add3A_65 = arith.constant 384 : i32
    %add3A_66 = arith.addi %mul3A_2, %add3A_65 : i32
    %dma_start3A_67 = arith.constant 0 : i32
    %dma_start3A_68 = tpu.memref_slice %arg4[%add3A_66, %dma_start3A_67] : memref<16384x128xf32, #tpu.memory_space<hbm>> -> memref<128x128xf32, #tpu.memory_space<hbm>>
    %dma_start3A_69 = arith.constant 0 : i32
    %dma_start3A_70 = tpu.memref_slice %arg4[%add3A_66, %dma_start3A_69] : memref<16384x128xf32, #tpu.memory_space<hbm>> -> memref<128x128xf32, #tpu.memory_space<hbm>>
    tpu.enqueue_dma source(%arg7 : memref<128x128xf32, #tpu.memory_space<vmem>>) target(%dma_start3A_70 : memref<128x128xf32, #tpu.memory_space<hbm>>) target_semaphore(%arg9 : memref<!tpu.dma_semaphore, #tpu.memory_space<semaphore_mem>>)
    %dma_wait3A_71 = arith.constant 0 : i32
    %dma_wait3A_72 = tpu.memref_slice %arg4[%add3A_55, %dma_wait3A_71] : memref<16384x128xf32, #tpu.memory_space<hbm>> -> memref<128x128xf32, #tpu.memory_space<hbm>>
    %dma_wait3A_73 = arith.constant 0 : i32
    %dma_wait3A_74 = tpu.memref_slice %arg4[%add3A_55, %dma_wait3A_73] : memref<16384x128xf32, #tpu.memory_space<hbm>> -> memref<128x128xf32, #tpu.memory_space<hbm>>
    tpu.wait_dma2 semaphore(%arg8 : memref<!tpu.dma_semaphore, #tpu.memory_space<semaphore_mem>>) src(%arg6 : memref<128x128xf32, #tpu.memory_space<vmem>>) dst(%dma_wait3A_74 : memref<128x128xf32, #tpu.memory_space<hbm>>)
    %dma_wait3A_75 = arith.constant 0 : i32
    %dma_wait3A_76 = tpu.memref_slice %arg4[%add3A_66, %dma_wait3A_75] : memref<16384x128xf32, #tpu.memory_space<hbm>> -> memref<128x128xf32, #tpu.memory_space<hbm>>
    %dma_wait3A_77 = arith.constant 0 : i32
    %dma_wait3A_78 = tpu.memref_slice %arg4[%add3A_66, %dma_wait3A_77] : memref<16384x128xf32, #tpu.memory_space<hbm>> -> memref<128x128xf32, #tpu.memory_space<hbm>>
    tpu.wait_dma2 semaphore(%arg9 : memref<!tpu.dma_semaphore, #tpu.memory_space<semaphore_mem>>) src(%arg7 : memref<128x128xf32, #tpu.memory_space<vmem>>) dst(%dma_wait3A_78 : memref<128x128xf32, #tpu.memory_space<hbm>>)
    return
  }
}

#map = affine_map<(d0, d1) -> (0)>
module attributes {stable_mosaic.version = 14 : i64} {
  func.func @_winner_body(%arg0: i32, %arg1: i32, %arg2: memref<16384xi32, #tpu.memory_space<hbm>>, %arg3: memref<100000xf32, #tpu.memory_space<hbm>>, %arg4: memref<16384xf32, #tpu.memory_space<hbm>>, %arg5: memref<100352xi32, #tpu.memory_space<hbm>>, %arg6: memref<100000xf32, #tpu.memory_space<hbm>>, %arg7: memref<16384xi32, #tpu.memory_space<vmem>>, %arg8: memref<3136xi32, #tpu.memory_space<vmem>>, %arg9: memref<16384xf32, #tpu.memory_space<vmem>>, %arg10: memref<3136xf32, #tpu.memory_space<vmem>>, %arg11: memref<!tpu.dma_semaphore, #tpu.memory_space<semaphore_mem>>) attributes {dimension_semantics = [#tpu.dimension_semantics<core_parallel>, #tpu.dimension_semantics<subcore_parallel>], iteration_bounds = array<i64: 2, 16>, scalar_prefetch = 0 : i64, scratch_operands = 5 : i64, tpu.core_type = #tpu.core_type<sc_vector_subcore>, window_params = [{transform_indices = #map}, {transform_indices = #map}, {transform_indices = #map}, {transform_indices = #map}, {transform_indices = #map}]} {
    %mul3A = arith.constant 2 : i32
    %mul3A_0 = arith.muli %arg1, %mul3A : i32
    %add3A = arith.addi %mul3A_0, %arg0 : i32
    %mul3A_1 = arith.constant 3136 : i32
    %mul3A_2 = arith.muli %add3A, %mul3A_1 : i32
    "tpu.region"() ({
      %run_scoped3A = tpu.sem_alloc : memref<!tpu.dma_semaphore, #tpu.memory_space<semaphore_mem>>
      tpu.enqueue_dma source(%arg2 : memref<16384xi32, #tpu.memory_space<hbm>>) target(%arg7 : memref<16384xi32, #tpu.memory_space<vmem>>) target_semaphore(%run_scoped3A : memref<!tpu.dma_semaphore, #tpu.memory_space<semaphore_mem>>)
      tpu.wait_dma2 semaphore(%run_scoped3A : memref<!tpu.dma_semaphore, #tpu.memory_space<semaphore_mem>>) src(%arg2 : memref<16384xi32, #tpu.memory_space<hbm>>) dst(%arg7 : memref<16384xi32, #tpu.memory_space<vmem>>)
      tpu.yield
    }) : () -> ()
    "tpu.region"() ({
      %run_scoped3A = tpu.sem_alloc : memref<!tpu.dma_semaphore, #tpu.memory_space<semaphore_mem>>
      tpu.enqueue_dma source(%arg4 : memref<16384xf32, #tpu.memory_space<hbm>>) target(%arg9 : memref<16384xf32, #tpu.memory_space<vmem>>) target_semaphore(%run_scoped3A : memref<!tpu.dma_semaphore, #tpu.memory_space<semaphore_mem>>)
      tpu.wait_dma2 semaphore(%run_scoped3A : memref<!tpu.dma_semaphore, #tpu.memory_space<semaphore_mem>>) src(%arg4 : memref<16384xf32, #tpu.memory_space<hbm>>) dst(%arg9 : memref<16384xf32, #tpu.memory_space<vmem>>)
      tpu.yield
    }) : () -> ()
    %lt3A = arith.constant 31 : i32
    %lt3A_3 = arith.cmpi slt, %add3A, %lt3A : i32
    %convert_element_type3A = arith.extui %lt3A_3 : i1 to i32
    %cond3A = arith.constant 0 : i32
    %cond3A_4 = arith.cmpi ne, %convert_element_type3A, %cond3A : i32
    scf.if %cond3A_4 {
      "tpu.region"() ({
        %run_scoped3A = tpu.sem_alloc : memref<!tpu.dma_semaphore, #tpu.memory_space<semaphore_mem>>
        %dma_start3A = tpu.memref_slice %arg3[%mul3A_2] : memref<100000xf32, #tpu.memory_space<hbm>> -> memref<3136xf32, #tpu.memory_space<hbm>>
        %dma_start3A_24 = tpu.memref_slice %arg3[%mul3A_2] : memref<100000xf32, #tpu.memory_space<hbm>> -> memref<3136xf32, #tpu.memory_space<hbm>>
        tpu.enqueue_dma source(%dma_start3A_24 : memref<3136xf32, #tpu.memory_space<hbm>>) target(%arg10 : memref<3136xf32, #tpu.memory_space<vmem>>) target_semaphore(%run_scoped3A : memref<!tpu.dma_semaphore, #tpu.memory_space<semaphore_mem>>)
        %dma_wait3A = tpu.memref_slice %arg3[%mul3A_2] : memref<100000xf32, #tpu.memory_space<hbm>> -> memref<3136xf32, #tpu.memory_space<hbm>>
        %dma_wait3A_25 = tpu.memref_slice %arg3[%mul3A_2] : memref<100000xf32, #tpu.memory_space<hbm>> -> memref<3136xf32, #tpu.memory_space<hbm>>
        tpu.wait_dma2 semaphore(%run_scoped3A : memref<!tpu.dma_semaphore, #tpu.memory_space<semaphore_mem>>) src(%dma_wait3A_25 : memref<3136xf32, #tpu.memory_space<hbm>>) dst(%arg10 : memref<3136xf32, #tpu.memory_space<vmem>>)
        tpu.yield
      }) : () -> ()
    } else {
    }
    %eq3A = arith.constant 31 : i32
    %eq3A_5 = arith.cmpi eq, %add3A, %eq3A : i32
    %convert_element_type3A_6 = arith.extui %eq3A_5 : i1 to i32
    %cond3A_7 = arith.constant 0 : i32
    %cond3A_8 = arith.cmpi ne, %convert_element_type3A_6, %cond3A_7 : i32
    scf.if %cond3A_8 {
      "tpu.region"() ({
        %run_scoped3A = tpu.sem_alloc : memref<!tpu.dma_semaphore, #tpu.memory_space<semaphore_mem>>
        %dma_start3A = arith.constant 0 : i32
        %dma_start3A_24 = tpu.memref_slice %arg10[%dma_start3A] : memref<3136xf32, #tpu.memory_space<vmem>> -> memref<2784xf32, #tpu.memory_space<vmem>>
        %dma_start3A_25 = tpu.memref_slice %arg3[%mul3A_2] : memref<100000xf32, #tpu.memory_space<hbm>> -> memref<2784xf32, #tpu.memory_space<hbm>>
        %dma_start3A_26 = arith.constant 0 : i32
        %dma_start3A_27 = tpu.memref_slice %arg10[%dma_start3A_26] : memref<3136xf32, #tpu.memory_space<vmem>> -> memref<2784xf32, #tpu.memory_space<vmem>>
        %dma_start3A_28 = tpu.memref_slice %arg3[%mul3A_2] : memref<100000xf32, #tpu.memory_space<hbm>> -> memref<2784xf32, #tpu.memory_space<hbm>>
        tpu.enqueue_dma source(%dma_start3A_28 : memref<2784xf32, #tpu.memory_space<hbm>>) target(%dma_start3A_27 : memref<2784xf32, #tpu.memory_space<vmem>>) target_semaphore(%run_scoped3A : memref<!tpu.dma_semaphore, #tpu.memory_space<semaphore_mem>>)
        %dma_wait3A = arith.constant 0 : i32
        %dma_wait3A_29 = tpu.memref_slice %arg10[%dma_wait3A] : memref<3136xf32, #tpu.memory_space<vmem>> -> memref<2784xf32, #tpu.memory_space<vmem>>
        %dma_wait3A_30 = tpu.memref_slice %arg3[%mul3A_2] : memref<100000xf32, #tpu.memory_space<hbm>> -> memref<2784xf32, #tpu.memory_space<hbm>>
        %dma_wait3A_31 = arith.constant 0 : i32
        %dma_wait3A_32 = tpu.memref_slice %arg10[%dma_wait3A_31] : memref<3136xf32, #tpu.memory_space<vmem>> -> memref<2784xf32, #tpu.memory_space<vmem>>
        %dma_wait3A_33 = tpu.memref_slice %arg3[%mul3A_2] : memref<100000xf32, #tpu.memory_space<hbm>> -> memref<2784xf32, #tpu.memory_space<hbm>>
        tpu.wait_dma2 semaphore(%run_scoped3A : memref<!tpu.dma_semaphore, #tpu.memory_space<semaphore_mem>>) src(%dma_wait3A_33 : memref<2784xf32, #tpu.memory_space<hbm>>) dst(%dma_wait3A_32 : memref<2784xf32, #tpu.memory_space<vmem>>)
        tpu.yield
      }) : () -> ()
    } else {
    }
    %iota3A = tpu.iota {dimensions = array<i32: 0>} : vector<16xi32>
    %scan3A = arith.constant 0 : i32
    %scan3A_9 = arith.constant 0 : i32
    %scan3A_10 = arith.constant 1024 : i32
    %scan3A_11 = arith.addi %scan3A_9, %scan3A_10 : i32
    %scan3A_12 = arith.constant 1 : i32
    scf.for %scan3A_24 = %scan3A_9 to %scan3A_11 step %scan3A_12  : i32 {
      %mul3A_25 = arith.constant 16 : i32
      %mul3A_26 = arith.muli %scan3A_24, %mul3A_25 : i32
      %get3A = arith.index_cast %mul3A_26 : i32 to index
      %get3A_27 = tpu.vector_load %arg7[%get3A] {strides = array<i32>} : memref<16384xi32, #tpu.memory_space<vmem>>, vector<16xi32>,
      %mul3A_28 = arith.constant 16 : i32
      %mul3A_29 = arith.muli %scan3A_24, %mul3A_28 : i32
      %add3A_30 = vector.broadcast %mul3A_29 : i32 to vector<16xi32>
      %add3A_31 = arith.addi %add3A_30, %iota3A : vector<16xi32>
      %ge3A = vector.broadcast %mul3A_2 : i32 to vector<16xi32>
      %ge3A_32 = arith.cmpi sge, %get3A_27, %ge3A : vector<16xi32>
      %add3A_33 = arith.constant 3136 : i32
      %add3A_34 = arith.addi %mul3A_2, %add3A_33 : i32
      %lt3A_35 = vector.broadcast %add3A_34 : i32 to vector<16xi32>
      %lt3A_36 = arith.cmpi slt, %get3A_27, %lt3A_35 : vector<16xi32>
      %and3A = arith.andi %ge3A_32, %lt3A_36 : vector<16xi1>
      %sub3A = vector.broadcast %mul3A_2 : i32 to vector<16xi32>
      %sub3A_37 = arith.subi %get3A_27, %sub3A : vector<16xi32>
      %jit3A = arith.constant 0 : i32
      %broadcast_in_dim3A = vector.broadcast %jit3A : i32 to vector<16xi32>
      %select_n3A = arith.select %and3A, %sub3A_37, %broadcast_in_dim3A : vector<16xi1>, vector<16xi32>
      tpu.vector_store_idx %arg8[%select_n3A], %add3A_31 masked %and3A : memref<3136xi32, #tpu.memory_space<vmem>>[vector<16xi32>], vector<16xi32>, vector<16xi1>
      %mul3A_38 = arith.constant 16 : i32
      %mul3A_39 = arith.muli %scan3A_24, %mul3A_38 : i32
      %get3A_40 = arith.index_cast %mul3A_39 : i32 to index
      %get3A_41 = tpu.vector_load %arg9[%get3A_40] {strides = array<i32>} : memref<16384xf32, #tpu.memory_space<vmem>>, vector<16xf32>,
      tpu.vector_store_idx %arg10[%select_n3A], %get3A_41 masked %and3A : memref<3136xf32, #tpu.memory_space<vmem>>[vector<16xi32>], vector<16xf32>, vector<16xi1>
    }
    %scan3A_13 = arith.constant 1024 : i32
    "tpu.region"() ({
      %run_scoped3A = tpu.sem_alloc : memref<!tpu.dma_semaphore, #tpu.memory_space<semaphore_mem>>
      %dma_start3A = tpu.memref_slice %arg5[%mul3A_2] : memref<100352xi32, #tpu.memory_space<hbm>> -> memref<3136xi32, #tpu.memory_space<hbm>>
      %dma_start3A_24 = tpu.memref_slice %arg5[%mul3A_2] : memref<100352xi32, #tpu.memory_space<hbm>> -> memref<3136xi32, #tpu.memory_space<hbm>>
      tpu.enqueue_dma source(%arg8 : memref<3136xi32, #tpu.memory_space<vmem>>) target(%dma_start3A_24 : memref<3136xi32, #tpu.memory_space<hbm>>) target_semaphore(%run_scoped3A : memref<!tpu.dma_semaphore, #tpu.memory_space<semaphore_mem>>)
      %dma_wait3A = tpu.memref_slice %arg5[%mul3A_2] : memref<100352xi32, #tpu.memory_space<hbm>> -> memref<3136xi32, #tpu.memory_space<hbm>>
      %dma_wait3A_25 = tpu.memref_slice %arg5[%mul3A_2] : memref<100352xi32, #tpu.memory_space<hbm>> -> memref<3136xi32, #tpu.memory_space<hbm>>
      tpu.wait_dma2 semaphore(%run_scoped3A : memref<!tpu.dma_semaphore, #tpu.memory_space<semaphore_mem>>) src(%arg8 : memref<3136xi32, #tpu.memory_space<vmem>>) dst(%dma_wait3A_25 : memref<3136xi32, #tpu.memory_space<hbm>>)
      tpu.yield
    }) : () -> ()
    %lt3A_14 = arith.constant 31 : i32
    %lt3A_15 = arith.cmpi slt, %add3A, %lt3A_14 : i32
    %convert_element_type3A_16 = arith.extui %lt3A_15 : i1 to i32
    %cond3A_17 = arith.constant 0 : i32
    %cond3A_18 = arith.cmpi ne, %convert_element_type3A_16, %cond3A_17 : i32
    scf.if %cond3A_18 {
      "tpu.region"() ({
        %run_scoped3A = tpu.sem_alloc : memref<!tpu.dma_semaphore, #tpu.memory_space<semaphore_mem>>
        %dma_start3A = tpu.memref_slice %arg6[%mul3A_2] : memref<100000xf32, #tpu.memory_space<hbm>> -> memref<3136xf32, #tpu.memory_space<hbm>>
        %dma_start3A_24 = tpu.memref_slice %arg6[%mul3A_2] : memref<100000xf32, #tpu.memory_space<hbm>> -> memref<3136xf32, #tpu.memory_space<hbm>>
        tpu.enqueue_dma source(%arg10 : memref<3136xf32, #tpu.memory_space<vmem>>) target(%dma_start3A_24 : memref<3136xf32, #tpu.memory_space<hbm>>) target_semaphore(%run_scoped3A : memref<!tpu.dma_semaphore, #tpu.memory_space<semaphore_mem>>)
        %dma_wait3A = tpu.memref_slice %arg6[%mul3A_2] : memref<100000xf32, #tpu.memory_space<hbm>> -> memref<3136xf32, #tpu.memory_space<hbm>>
        %dma_wait3A_25 = tpu.memref_slice %arg6[%mul3A_2] : memref<100000xf32, #tpu.memory_space<hbm>> -> memref<3136xf32, #tpu.memory_space<hbm>>
        tpu.wait_dma2 semaphore(%run_scoped3A : memref<!tpu.dma_semaphore, #tpu.memory_space<semaphore_mem>>) src(%arg10 : memref<3136xf32, #tpu.memory_space<vmem>>) dst(%dma_wait3A_25 : memref<3136xf32, #tpu.memory_space<hbm>>)
        tpu.yield
      }) : () -> ()
    } else {
    }
    %eq3A_19 = arith.constant 31 : i32
    %eq3A_20 = arith.cmpi eq, %add3A, %eq3A_19 : i32
    %convert_element_type3A_21 = arith.extui %eq3A_20 : i1 to i32
    %cond3A_22 = arith.constant 0 : i32
    %cond3A_23 = arith.cmpi ne, %convert_element_type3A_21, %cond3A_22 : i32
    scf.if %cond3A_23 {
      "tpu.region"() ({
        %run_scoped3A = tpu.sem_alloc : memref<!tpu.dma_semaphore, #tpu.memory_space<semaphore_mem>>
        %dma_start3A = arith.constant 0 : i32
        %dma_start3A_24 = tpu.memref_slice %arg10[%dma_start3A] : memref<3136xf32, #tpu.memory_space<vmem>> -> memref<2784xf32, #tpu.memory_space<vmem>>
        %dma_start3A_25 = tpu.memref_slice %arg6[%mul3A_2] : memref<100000xf32, #tpu.memory_space<hbm>> -> memref<2784xf32, #tpu.memory_space<hbm>>
        %dma_start3A_26 = tpu.memref_slice %arg6[%mul3A_2] : memref<100000xf32, #tpu.memory_space<hbm>> -> memref<2784xf32, #tpu.memory_space<hbm>>
        %dma_start3A_27 = arith.constant 0 : i32
        %dma_start3A_28 = tpu.memref_slice %arg10[%dma_start3A_27] : memref<3136xf32, #tpu.memory_space<vmem>> -> memref<2784xf32, #tpu.memory_space<vmem>>
        tpu.enqueue_dma source(%dma_start3A_28 : memref<2784xf32, #tpu.memory_space<vmem>>) target(%dma_start3A_26 : memref<2784xf32, #tpu.memory_space<hbm>>) target_semaphore(%run_scoped3A : memref<!tpu.dma_semaphore, #tpu.memory_space<semaphore_mem>>)
        %dma_wait3A = arith.constant 0 : i32
        %dma_wait3A_29 = tpu.memref_slice %arg10[%dma_wait3A] : memref<3136xf32, #tpu.memory_space<vmem>> -> memref<2784xf32, #tpu.memory_space<vmem>>
        %dma_wait3A_30 = tpu.memref_slice %arg6[%mul3A_2] : memref<100000xf32, #tpu.memory_space<hbm>> -> memref<2784xf32, #tpu.memory_space<hbm>>
        %dma_wait3A_31 = tpu.memref_slice %arg6[%mul3A_2] : memref<100000xf32, #tpu.memory_space<hbm>> -> memref<2784xf32, #tpu.memory_space<hbm>>
        %dma_wait3A_32 = arith.constant 0 : i32
        %dma_wait3A_33 = tpu.memref_slice %arg10[%dma_wait3A_32] : memref<3136xf32, #tpu.memory_space<vmem>> -> memref<2784xf32, #tpu.memory_space<vmem>>
        tpu.wait_dma2 semaphore(%run_scoped3A : memref<!tpu.dma_semaphore, #tpu.memory_space<semaphore_mem>>) src(%dma_wait3A_33 : memref<2784xf32, #tpu.memory_space<vmem>>) dst(%dma_wait3A_31 : memref<2784xf32, #tpu.memory_space<hbm>>)
        tpu.yield
      }) : () -> ()
    } else {
    }
    return
  }
}

#map = affine_map<(d0, d1) -> (0, 0)>
#map1 = affine_map<(d0, d1) -> (0)>
module attributes {stable_mosaic.version = 14 : i64} {
  func.func @new_body(%arg0: i32, %arg1: i32, %arg2: memref<16384x128xf32, #tpu.memory_space<hbm>>, %arg3: memref<16384xi32, #tpu.memory_space<hbm>>, %arg4: memref<100352xi32, #tpu.memory_space<hbm>>, %arg5: memref<100000x128xf32, #tpu.memory_space<hbm>>, %arg6: memref<16xi32, #tpu.memory_space<hbm>>, %arg7: memref<100000x128xf32, #tpu.memory_space<hbm>>, %arg8: memref<512xi32, #tpu.memory_space<vmem>>, %arg9: memref<512xi32, #tpu.memory_space<vmem>>, %arg10: memref<512x128xf32, #tpu.memory_space<vmem>>, %arg11: memref<!tpu.dma_semaphore, #tpu.memory_space<semaphore_mem>>) attributes {dimension_semantics = [#tpu.dimension_semantics<core_parallel>, #tpu.dimension_semantics<subcore_parallel>], iteration_bounds = array<i64: 2, 16>, scalar_prefetch = 0 : i64, scratch_operands = 4 : i64, tpu.core_type = #tpu.core_type<sc_vector_subcore>, window_params = [{transform_indices = #map}, {transform_indices = #map1}, {transform_indices = #map1}, {transform_indices = #map}, {transform_indices = #map1}, {transform_indices = #map}]} {
    %mul3A = arith.constant 2 : i32
    %mul3A_0 = arith.muli %arg1, %mul3A : i32
    %add3A = arith.addi %mul3A_0, %arg0 : i32
    %mul3A_1 = arith.constant 512 : i32
    %mul3A_2 = arith.muli %add3A, %mul3A_1 : i32
    "tpu.region"() ({
      %run_scoped3A = tpu.sem_alloc : memref<!tpu.dma_semaphore, #tpu.memory_space<semaphore_mem>>
      %dma_start3A_19 = tpu.memref_slice %arg3[%mul3A_2] : memref<16384xi32, #tpu.memory_space<hbm>> -> memref<512xi32, #tpu.memory_space<hbm>>
      %dma_start3A_20 = tpu.memref_slice %arg3[%mul3A_2] : memref<16384xi32, #tpu.memory_space<hbm>> -> memref<512xi32, #tpu.memory_space<hbm>>
      tpu.enqueue_dma source(%dma_start3A_20 : memref<512xi32, #tpu.memory_space<hbm>>) target(%arg8 : memref<512xi32, #tpu.memory_space<vmem>>) target_semaphore(%run_scoped3A : memref<!tpu.dma_semaphore, #tpu.memory_space<semaphore_mem>>)
      %dma_wait3A_21 = tpu.memref_slice %arg3[%mul3A_2] : memref<16384xi32, #tpu.memory_space<hbm>> -> memref<512xi32, #tpu.memory_space<hbm>>
      %dma_wait3A_22 = tpu.memref_slice %arg3[%mul3A_2] : memref<16384xi32, #tpu.memory_space<hbm>> -> memref<512xi32, #tpu.memory_space<hbm>>
      tpu.wait_dma2 semaphore(%run_scoped3A : memref<!tpu.dma_semaphore, #tpu.memory_space<semaphore_mem>>) src(%dma_wait3A_22 : memref<512xi32, #tpu.memory_space<hbm>>) dst(%arg8 : memref<512xi32, #tpu.memory_space<vmem>>)
      tpu.yield
    }) : () -> ()
    %dma_start3A = arith.constant 0 : i32
    %dma_start3A_3 = tpu.memref_slice %arg4[%dma_start3A] : memref<100352xi32, #tpu.memory_space<hbm>> -> memref<100352xi32, #tpu.memory_space<hbm>>
    tpu.enqueue_indirect_dma source(%dma_start3A_3 : memref<100352xi32, #tpu.memory_space<hbm>>) target(%arg9 : memref<512xi32, #tpu.memory_space<vmem>>) offsets(%arg8 : memref<512xi32, #tpu.memory_space<vmem>>) semaphore(%arg11 : memref<!tpu.dma_semaphore, #tpu.memory_space<semaphore_mem>>)
    %dma_wait3A = arith.constant 0 : i32
    %dma_wait3A_4 = tpu.memref_slice %arg4[%dma_wait3A] : memref<100352xi32, #tpu.memory_space<hbm>> -> memref<100352xi32, #tpu.memory_space<hbm>>
    tpu.wait_indirect_dma semaphore(%arg11 : memref<!tpu.dma_semaphore, #tpu.memory_space<semaphore_mem>>) src(%dma_wait3A_4 : memref<100352xi32, #tpu.memory_space<hbm>>) dst(%arg9 : memref<512xi32, #tpu.memory_space<vmem>>)
    %dma_start3A_5 = arith.constant 0 : i32
    %dma_start3A_6 = arith.constant 0 : i32
    %dma_start3A_7 = tpu.memref_slice %arg2[%dma_start3A_5, %dma_start3A_6] : memref<16384x128xf32, #tpu.memory_space<hbm>> -> memref<16384x128xf32, #tpu.memory_space<hbm>>
    tpu.enqueue_indirect_dma source(%dma_start3A_7 : memref<16384x128xf32, #tpu.memory_space<hbm>>) target(%arg10 : memref<512x128xf32, #tpu.memory_space<vmem>>) offsets(%arg9 : memref<512xi32, #tpu.memory_space<vmem>>) semaphore(%arg11 : memref<!tpu.dma_semaphore, #tpu.memory_space<semaphore_mem>>)
    %dma_wait3A_8 = arith.constant 0 : i32
    %dma_wait3A_9 = arith.constant 0 : i32
    %dma_wait3A_10 = tpu.memref_slice %arg2[%dma_wait3A_8, %dma_wait3A_9] : memref<16384x128xf32, #tpu.memory_space<hbm>> -> memref<16384x128xf32, #tpu.memory_space<hbm>>
    tpu.wait_indirect_dma semaphore(%arg11 : memref<!tpu.dma_semaphore, #tpu.memory_space<semaphore_mem>>) src(%dma_wait3A_10 : memref<16384x128xf32, #tpu.memory_space<hbm>>) dst(%arg10 : memref<512x128xf32, #tpu.memory_space<vmem>>)
    %dma_start3A_11 = arith.constant 0 : i32
    %dma_start3A_12 = arith.constant 0 : i32
    %dma_start3A_13 = tpu.memref_slice %arg5[%dma_start3A_11, %dma_start3A_12] : memref<100000x128xf32, #tpu.memory_space<hbm>> -> memref<100000x128xf32, #tpu.memory_space<hbm>>
    tpu.enqueue_indirect_dma source(%arg10 : memref<512x128xf32, #tpu.memory_space<vmem>>) target(%dma_start3A_13 : memref<100000x128xf32, #tpu.memory_space<hbm>>) offsets(%arg8 : memref<512xi32, #tpu.memory_space<vmem>>) semaphore(%arg11 : memref<!tpu.dma_semaphore, #tpu.memory_space<semaphore_mem>>)
    %dma_wait3A_14 = arith.constant 0 : i32
    %dma_wait3A_15 = arith.constant 0 : i32
    %dma_wait3A_16 = tpu.memref_slice %arg5[%dma_wait3A_14, %dma_wait3A_15] : memref<100000x128xf32, #tpu.memory_space<hbm>> -> memref<100000x128xf32, #tpu.memory_space<hbm>>
    tpu.wait_indirect_dma semaphore(%arg11 : memref<!tpu.dma_semaphore, #tpu.memory_space<semaphore_mem>>) src(%arg10 : memref<512x128xf32, #tpu.memory_space<vmem>>) dst(%dma_wait3A_16 : memref<100000x128xf32, #tpu.memory_space<hbm>>)
    %eq3A = arith.constant 0 : i32
    %eq3A_17 = arith.cmpi eq, %add3A, %eq3A : i32
    %convert_element_type3A = arith.extui %eq3A_17 : i1 to i32
    %cond3A = arith.constant 0 : i32
    %cond3A_18 = arith.cmpi ne, %convert_element_type3A, %cond3A : i32
    scf.if %cond3A_18 {
      "tpu.region"() ({
        %run_scoped3A = tpu.sem_alloc : memref<!tpu.dma_semaphore, #tpu.memory_space<semaphore_mem>>
        %dma_start3A_19 = arith.constant 0 : i32
        %dma_start3A_20 = tpu.memref_slice %arg8[%dma_start3A_19] : memref<512xi32, #tpu.memory_space<vmem>> -> memref<16xi32, #tpu.memory_space<vmem>>
        %dma_start3A_21 = arith.constant 0 : i32
        %dma_start3A_22 = tpu.memref_slice %arg8[%dma_start3A_21] : memref<512xi32, #tpu.memory_space<vmem>> -> memref<16xi32, #tpu.memory_space<vmem>>
        tpu.enqueue_dma source(%dma_start3A_22 : memref<16xi32, #tpu.memory_space<vmem>>) target(%arg6 : memref<16xi32, #tpu.memory_space<hbm>>) target_semaphore(%run_scoped3A : memref<!tpu.dma_semaphore, #tpu.memory_space<semaphore_mem>>)
        %dma_wait3A_23 = arith.constant 0 : i32
        %dma_wait3A_24 = tpu.memref_slice %arg8[%dma_wait3A_23] : memref<512xi32, #tpu.memory_space<vmem>> -> memref<16xi32, #tpu.memory_space<vmem>>
        %dma_wait3A_25 = arith.constant 0 : i32
        %dma_wait3A_26 = tpu.memref_slice %arg8[%dma_wait3A_25] : memref<512xi32, #tpu.memory_space<vmem>> -> memref<16xi32, #tpu.memory_space<vmem>>
        tpu.wait_dma2 semaphore(%run_scoped3A : memref<!tpu.dma_semaphore, #tpu.memory_space<semaphore_mem>>) src(%dma_wait3A_26 : memref<16xi32, #tpu.memory_space<vmem>>) dst(%arg6 : memref<16xi32, #tpu.memory_space<hbm>>)
        tpu.yield
      }) : () -> ()
    } else {
    }
    return
  }
}

module attributes {stable_mosaic.version = 14 : i64} {
  func.func @_dupkill_body(%arg0: memref<16x1024xi32, #tpu.memory_space<vmem>>, %arg1: memref<16x1024xi32, #tpu.memory_space<vmem>>) attributes {dimension_semantics = [], scalar_prefetch = 0 : i64, scratch_operands = 0 : i64, tpu.core_type = #tpu.core_type<tc>} {
    %get3A = arith.constant 0 : index
    %get3A_0 = arith.constant 0 : index
    %get3A_1 = vector.load %arg0[%get3A, %get3A_0] : memref<16x1024xi32, #tpu.memory_space<vmem>>, vector<1x1024xi32>
    %get3A_2 = vector.shape_cast %get3A_1 : vector<1x1024xi32> to vector<1024xi32>
    %get3A_3 = arith.constant 1 : index
    %get3A_4 = arith.constant 0 : index
    %get3A_5 = vector.load %arg0[%get3A_3, %get3A_4] : memref<16x1024xi32, #tpu.memory_space<vmem>>, vector<1x1024xi32>
    %get3A_6 = vector.shape_cast %get3A_5 : vector<1x1024xi32> to vector<1024xi32>
    %get3A_7 = arith.constant 2 : index
    %get3A_8 = arith.constant 0 : index
    %get3A_9 = vector.load %arg0[%get3A_7, %get3A_8] : memref<16x1024xi32, #tpu.memory_space<vmem>>, vector<1x1024xi32>
    %get3A_10 = vector.shape_cast %get3A_9 : vector<1x1024xi32> to vector<1024xi32>
    %get3A_11 = arith.constant 3 : index
    %get3A_12 = arith.constant 0 : index
    %get3A_13 = vector.load %arg0[%get3A_11, %get3A_12] : memref<16x1024xi32, #tpu.memory_space<vmem>>, vector<1x1024xi32>
    %get3A_14 = vector.shape_cast %get3A_13 : vector<1x1024xi32> to vector<1024xi32>
    %get3A_15 = arith.constant 4 : index
    %get3A_16 = arith.constant 0 : index
    %get3A_17 = vector.load %arg0[%get3A_15, %get3A_16] : memref<16x1024xi32, #tpu.memory_space<vmem>>, vector<1x1024xi32>
    %get3A_18 = vector.shape_cast %get3A_17 : vector<1x1024xi32> to vector<1024xi32>
    %get3A_19 = arith.constant 5 : index
    %get3A_20 = arith.constant 0 : index
    %get3A_21 = vector.load %arg0[%get3A_19, %get3A_20] : memref<16x1024xi32, #tpu.memory_space<vmem>>, vector<1x1024xi32>
    %get3A_22 = vector.shape_cast %get3A_21 : vector<1x1024xi32> to vector<1024xi32>
    %get3A_23 = arith.constant 6 : index
    %get3A_24 = arith.constant 0 : index
    %get3A_25 = vector.load %arg0[%get3A_23, %get3A_24] : memref<16x1024xi32, #tpu.memory_space<vmem>>, vector<1x1024xi32>
    %get3A_26 = vector.shape_cast %get3A_25 : vector<1x1024xi32> to vector<1024xi32>
    %get3A_27 = arith.constant 7 : index
    %get3A_28 = arith.constant 0 : index
    %get3A_29 = vector.load %arg0[%get3A_27, %get3A_28] : memref<16x1024xi32, #tpu.memory_space<vmem>>, vector<1x1024xi32>
    %get3A_30 = vector.shape_cast %get3A_29 : vector<1x1024xi32> to vector<1024xi32>
    %get3A_31 = arith.constant 8 : index
    %get3A_32 = arith.constant 0 : index
    %get3A_33 = vector.load %arg0[%get3A_31, %get3A_32] : memref<16x1024xi32, #tpu.memory_space<vmem>>, vector<1x1024xi32>
    %get3A_34 = vector.shape_cast %get3A_33 : vector<1x1024xi32> to vector<1024xi32>
    %get3A_35 = arith.constant 9 : index
    %get3A_36 = arith.constant 0 : index
    %get3A_37 = vector.load %arg0[%get3A_35, %get3A_36] : memref<16x1024xi32, #tpu.memory_space<vmem>>, vector<1x1024xi32>
    %get3A_38 = vector.shape_cast %get3A_37 : vector<1x1024xi32> to vector<1024xi32>
    %get3A_39 = arith.constant 10 : index
    %get3A_40 = arith.constant 0 : index
    %get3A_41 = vector.load %arg0[%get3A_39, %get3A_40] : memref<16x1024xi32, #tpu.memory_space<vmem>>, vector<1x1024xi32>
    %get3A_42 = vector.shape_cast %get3A_41 : vector<1x1024xi32> to vector<1024xi32>
    %get3A_43 = arith.constant 11 : index
    %get3A_44 = arith.constant 0 : index
    %get3A_45 = vector.load %arg0[%get3A_43, %get3A_44] : memref<16x1024xi32, #tpu.memory_space<vmem>>, vector<1x1024xi32>
    %get3A_46 = vector.shape_cast %get3A_45 : vector<1x1024xi32> to vector<1024xi32>
    %get3A_47 = arith.constant 12 : index
    %get3A_48 = arith.constant 0 : index
    %get3A_49 = vector.load %arg0[%get3A_47, %get3A_48] : memref<16x1024xi32, #tpu.memory_space<vmem>>, vector<1x1024xi32>
    %get3A_50 = vector.shape_cast %get3A_49 : vector<1x1024xi32> to vector<1024xi32>
    %get3A_51 = arith.constant 13 : index
    %get3A_52 = arith.constant 0 : index
    %get3A_53 = vector.load %arg0[%get3A_51, %get3A_52] : memref<16x1024xi32, #tpu.memory_space<vmem>>, vector<1x1024xi32>
    %get3A_54 = vector.shape_cast %get3A_53 : vector<1x1024xi32> to vector<1024xi32>
    %get3A_55 = arith.constant 14 : index
    %get3A_56 = arith.constant 0 : index
    %get3A_57 = vector.load %arg0[%get3A_55, %get3A_56] : memref<16x1024xi32, #tpu.memory_space<vmem>>, vector<1x1024xi32>
    %get3A_58 = vector.shape_cast %get3A_57 : vector<1x1024xi32> to vector<1024xi32>
    %get3A_59 = arith.constant 15 : index
    %get3A_60 = arith.constant 0 : index
    %get3A_61 = vector.load %arg0[%get3A_59, %get3A_60] : memref<16x1024xi32, #tpu.memory_space<vmem>>, vector<1x1024xi32>
    %get3A_62 = vector.shape_cast %get3A_61 : vector<1x1024xi32> to vector<1024xi32>
    %ne3A = arith.cmpi ne, %get3A_2, %get3A_2 : vector<1024xi32>
    %eq3A = arith.cmpi eq, %get3A_2, %get3A_6 : vector<1024xi32>
    %or3A = arith.ori %ne3A, %eq3A : vector<1024xi1>
    %eq3A_63 = arith.cmpi eq, %get3A_2, %get3A_10 : vector<1024xi32>
    %or3A_64 = arith.ori %or3A, %eq3A_63 : vector<1024xi1>
    %eq3A_65 = arith.cmpi eq, %get3A_2, %get3A_14 : vector<1024xi32>
    %or3A_66 = arith.ori %or3A_64, %eq3A_65 : vector<1024xi1>
    %eq3A_67 = arith.cmpi eq, %get3A_2, %get3A_18 : vector<1024xi32>
    %or3A_68 = arith.ori %or3A_66, %eq3A_67 : vector<1024xi1>
    %eq3A_69 = arith.cmpi eq, %get3A_2, %get3A_22 : vector<1024xi32>
    %or3A_70 = arith.ori %or3A_68, %eq3A_69 : vector<1024xi1>
    %eq3A_71 = arith.cmpi eq, %get3A_2, %get3A_26 : vector<1024xi32>
    %or3A_72 = arith.ori %or3A_70, %eq3A_71 : vector<1024xi1>
    %eq3A_73 = arith.cmpi eq, %get3A_2, %get3A_30 : vector<1024xi32>
    %or3A_74 = arith.ori %or3A_72, %eq3A_73 : vector<1024xi1>
    %eq3A_75 = arith.cmpi eq, %get3A_2, %get3A_34 : vector<1024xi32>
    %or3A_76 = arith.ori %or3A_74, %eq3A_75 : vector<1024xi1>
    %eq3A_77 = arith.cmpi eq, %get3A_2, %get3A_38 : vector<1024xi32>
    %or3A_78 = arith.ori %or3A_76, %eq3A_77 : vector<1024xi1>
    %eq3A_79 = arith.cmpi eq, %get3A_2, %get3A_42 : vector<1024xi32>
    %or3A_80 = arith.ori %or3A_78, %eq3A_79 : vector<1024xi1>
    %eq3A_81 = arith.cmpi eq, %get3A_2, %get3A_46 : vector<1024xi32>
    %or3A_82 = arith.ori %or3A_80, %eq3A_81 : vector<1024xi1>
    %eq3A_83 = arith.cmpi eq, %get3A_2, %get3A_50 : vector<1024xi32>
    %or3A_84 = arith.ori %or3A_82, %eq3A_83 : vector<1024xi1>
    %eq3A_85 = arith.cmpi eq, %get3A_2, %get3A_54 : vector<1024xi32>
    %or3A_86 = arith.ori %or3A_84, %eq3A_85 : vector<1024xi1>
    %eq3A_87 = arith.cmpi eq, %get3A_2, %get3A_58 : vector<1024xi32>
    %or3A_88 = arith.ori %or3A_86, %eq3A_87 : vector<1024xi1>
    %eq3A_89 = arith.cmpi eq, %get3A_2, %get3A_62 : vector<1024xi32>
    %or3A_90 = arith.ori %or3A_88, %eq3A_89 : vector<1024xi1>
    %jit3A = arith.constant 1073741824 : i32
    %broadcast_in_dim3A = vector.broadcast %jit3A : i32 to vector<1024xi32>
    %select_n3A = arith.select %or3A_90, %broadcast_in_dim3A, %get3A_2 : vector<1024xi1>, vector<1024xi32>
    %swap3A = arith.constant 0 : index
    %swap3A_91 = arith.constant 0 : index
    %swap3A_92 = vector.load %arg1[%swap3A, %swap3A_91] : memref<16x1024xi32, #tpu.memory_space<vmem>>, vector<1x1024xi32>
    %swap3A_93 = vector.shape_cast %swap3A_92 : vector<1x1024xi32> to vector<1024xi32>
    %swap3A_94 = vector.shape_cast %select_n3A : vector<1024xi32> to vector<1x1024xi32>
    tpu.vector_store %arg1[%swap3A, %swap3A_91], %swap3A_94 {strides = array<i32>} : memref<16x1024xi32, #tpu.memory_space<vmem>>, vector<1x1024xi32>,
    %ne3A_95 = arith.cmpi ne, %get3A_6, %get3A_6 : vector<1024xi32>
    %eq3A_96 = arith.cmpi eq, %get3A_6, %get3A_10 : vector<1024xi32>
    %or3A_97 = arith.ori %ne3A_95, %eq3A_96 : vector<1024xi1>
    %eq3A_98 = arith.cmpi eq, %get3A_6, %get3A_14 : vector<1024xi32>
    %or3A_99 = arith.ori %or3A_97, %eq3A_98 : vector<1024xi1>
    %eq3A_100 = arith.cmpi eq, %get3A_6, %get3A_18 : vector<1024xi32>
    %or3A_101 = arith.ori %or3A_99, %eq3A_100 : vector<1024xi1>
    %eq3A_102 = arith.cmpi eq, %get3A_6, %get3A_22 : vector<1024xi32>
    %or3A_103 = arith.ori %or3A_101, %eq3A_102 : vector<1024xi1>
    %eq3A_104 = arith.cmpi eq, %get3A_6, %get3A_26 : vector<1024xi32>
    %or3A_105 = arith.ori %or3A_103, %eq3A_104 : vector<1024xi1>
    %eq3A_106 = arith.cmpi eq, %get3A_6, %get3A_30 : vector<1024xi32>
    %or3A_107 = arith.ori %or3A_105, %eq3A_106 : vector<1024xi1>
    %eq3A_108 = arith.cmpi eq, %get3A_6, %get3A_34 : vector<1024xi32>
    %or3A_109 = arith.ori %or3A_107, %eq3A_108 : vector<1024xi1>
    %eq3A_110 = arith.cmpi eq, %get3A_6, %get3A_38 : vector<1024xi32>
    %or3A_111 = arith.ori %or3A_109, %eq3A_110 : vector<1024xi1>
    %eq3A_112 = arith.cmpi eq, %get3A_6, %get3A_42 : vector<1024xi32>
    %or3A_113 = arith.ori %or3A_111, %eq3A_112 : vector<1024xi1>
    %eq3A_114 = arith.cmpi eq, %get3A_6, %get3A_46 : vector<1024xi32>
    %or3A_115 = arith.ori %or3A_113, %eq3A_114 : vector<1024xi1>
    %eq3A_116 = arith.cmpi eq, %get3A_6, %get3A_50 : vector<1024xi32>
    %or3A_117 = arith.ori %or3A_115, %eq3A_116 : vector<1024xi1>
    %eq3A_118 = arith.cmpi eq, %get3A_6, %get3A_54 : vector<1024xi32>
    %or3A_119 = arith.ori %or3A_117, %eq3A_118 : vector<1024xi1>
    %eq3A_120 = arith.cmpi eq, %get3A_6, %get3A_58 : vector<1024xi32>
    %or3A_121 = arith.ori %or3A_119, %eq3A_120 : vector<1024xi1>
    %eq3A_122 = arith.cmpi eq, %get3A_6, %get3A_62 : vector<1024xi32>
    %or3A_123 = arith.ori %or3A_121, %eq3A_122 : vector<1024xi1>
    %jit3A_124 = arith.constant 1073741824 : i32
    %broadcast_in_dim3A_125 = vector.broadcast %jit3A_124 : i32 to vector<1024xi32>
    %select_n3A_126 = arith.select %or3A_123, %broadcast_in_dim3A_125, %get3A_6 : vector<1024xi1>, vector<1024xi32>
    %swap3A_127 = arith.constant 1 : index
    %swap3A_128 = arith.constant 0 : index
    %swap3A_129 = vector.load %arg1[%swap3A_127, %swap3A_128] : memref<16x1024xi32, #tpu.memory_space<vmem>>, vector<1x1024xi32>
    %swap3A_130 = vector.shape_cast %swap3A_129 : vector<1x1024xi32> to vector<1024xi32>
    %swap3A_131 = vector.shape_cast %select_n3A_126 : vector<1024xi32> to vector<1x1024xi32>
    tpu.vector_store %arg1[%swap3A_127, %swap3A_128], %swap3A_131 {strides = array<i32>} : memref<16x1024xi32, #tpu.memory_space<vmem>>, vector<1x1024xi32>,
    %ne3A_132 = arith.cmpi ne, %get3A_10, %get3A_10 : vector<1024xi32>
    %eq3A_133 = arith.cmpi eq, %get3A_10, %get3A_14 : vector<1024xi32>
    %or3A_134 = arith.ori %ne3A_132, %eq3A_133 : vector<1024xi1>
    %eq3A_135 = arith.cmpi eq, %get3A_10, %get3A_18 : vector<1024xi32>
    %or3A_136 = arith.ori %or3A_134, %eq3A_135 : vector<1024xi1>
    %eq3A_137 = arith.cmpi eq, %get3A_10, %get3A_22 : vector<1024xi32>
    %or3A_138 = arith.ori %or3A_136, %eq3A_137 : vector<1024xi1>
    %eq3A_139 = arith.cmpi eq, %get3A_10, %get3A_26 : vector<1024xi32>
    %or3A_140 = arith.ori %or3A_138, %eq3A_139 : vector<1024xi1>
    %eq3A_141 = arith.cmpi eq, %get3A_10, %get3A_30 : vector<1024xi32>
    %or3A_142 = arith.ori %or3A_140, %eq3A_141 : vector<1024xi1>
    %eq3A_143 = arith.cmpi eq, %get3A_10, %get3A_34 : vector<1024xi32>
    %or3A_144 = arith.ori %or3A_142, %eq3A_143 : vector<1024xi1>
    %eq3A_145 = arith.cmpi eq, %get3A_10, %get3A_38 : vector<1024xi32>
    %or3A_146 = arith.ori %or3A_144, %eq3A_145 : vector<1024xi1>
    %eq3A_147 = arith.cmpi eq, %get3A_10, %get3A_42 : vector<1024xi32>
    %or3A_148 = arith.ori %or3A_146, %eq3A_147 : vector<1024xi1>
    %eq3A_149 = arith.cmpi eq, %get3A_10, %get3A_46 : vector<1024xi32>
    %or3A_150 = arith.ori %or3A_148, %eq3A_149 : vector<1024xi1>
    %eq3A_151 = arith.cmpi eq, %get3A_10, %get3A_50 : vector<1024xi32>
    %or3A_152 = arith.ori %or3A_150, %eq3A_151 : vector<1024xi1>
    %eq3A_153 = arith.cmpi eq, %get3A_10, %get3A_54 : vector<1024xi32>
    %or3A_154 = arith.ori %or3A_152, %eq3A_153 : vector<1024xi1>
    %eq3A_155 = arith.cmpi eq, %get3A_10, %get3A_58 : vector<1024xi32>
    %or3A_156 = arith.ori %or3A_154, %eq3A_155 : vector<1024xi1>
    %eq3A_157 = arith.cmpi eq, %get3A_10, %get3A_62 : vector<1024xi32>
    %or3A_158 = arith.ori %or3A_156, %eq3A_157 : vector<1024xi1>
    %jit3A_159 = arith.constant 1073741824 : i32
    %broadcast_in_dim3A_160 = vector.broadcast %jit3A_159 : i32 to vector<1024xi32>
    %select_n3A_161 = arith.select %or3A_158, %broadcast_in_dim3A_160, %get3A_10 : vector<1024xi1>, vector<1024xi32>
    %swap3A_162 = arith.constant 2 : index
    %swap3A_163 = arith.constant 0 : index
    %swap3A_164 = vector.load %arg1[%swap3A_162, %swap3A_163] : memref<16x1024xi32, #tpu.memory_space<vmem>>, vector<1x1024xi32>
    %swap3A_165 = vector.shape_cast %swap3A_164 : vector<1x1024xi32> to vector<1024xi32>
    %swap3A_166 = vector.shape_cast %select_n3A_161 : vector<1024xi32> to vector<1x1024xi32>
    tpu.vector_store %arg1[%swap3A_162, %swap3A_163], %swap3A_166 {strides = array<i32>} : memref<16x1024xi32, #tpu.memory_space<vmem>>, vector<1x1024xi32>,
    %ne3A_167 = arith.cmpi ne, %get3A_14, %get3A_14 : vector<1024xi32>
    %eq3A_168 = arith.cmpi eq, %get3A_14, %get3A_18 : vector<1024xi32>
    %or3A_169 = arith.ori %ne3A_167, %eq3A_168 : vector<1024xi1>
    %eq3A_170 = arith.cmpi eq, %get3A_14, %get3A_22 : vector<1024xi32>
    %or3A_171 = arith.ori %or3A_169, %eq3A_170 : vector<1024xi1>
    %eq3A_172 = arith.cmpi eq, %get3A_14, %get3A_26 : vector<1024xi32>
    %or3A_173 = arith.ori %or3A_171, %eq3A_172 : vector<1024xi1>
    %eq3A_174 = arith.cmpi eq, %get3A_14, %get3A_30 : vector<1024xi32>
    %or3A_175 = arith.ori %or3A_173, %eq3A_174 : vector<1024xi1>
    %eq3A_176 = arith.cmpi eq, %get3A_14, %get3A_34 : vector<1024xi32>
    %or3A_177 = arith.ori %or3A_175, %eq3A_176 : vector<1024xi1>
    %eq3A_178 = arith.cmpi eq, %get3A_14, %get3A_38 : vector<1024xi32>
    %or3A_179 = arith.ori %or3A_177, %eq3A_178 : vector<1024xi1>
    %eq3A_180 = arith.cmpi eq, %get3A_14, %get3A_42 : vector<1024xi32>
    %or3A_181 = arith.ori %or3A_179, %eq3A_180 : vector<1024xi1>
    %eq3A_182 = arith.cmpi eq, %get3A_14, %get3A_46 : vector<1024xi32>
    %or3A_183 = arith.ori %or3A_181, %eq3A_182 : vector<1024xi1>
    %eq3A_184 = arith.cmpi eq, %get3A_14, %get3A_50 : vector<1024xi32>
    %or3A_185 = arith.ori %or3A_183, %eq3A_184 : vector<1024xi1>
    %eq3A_186 = arith.cmpi eq, %get3A_14, %get3A_54 : vector<1024xi32>
    %or3A_187 = arith.ori %or3A_185, %eq3A_186 : vector<1024xi1>
    %eq3A_188 = arith.cmpi eq, %get3A_14, %get3A_58 : vector<1024xi32>
    %or3A_189 = arith.ori %or3A_187, %eq3A_188 : vector<1024xi1>
    %eq3A_190 = arith.cmpi eq, %get3A_14, %get3A_62 : vector<1024xi32>
    %or3A_191 = arith.ori %or3A_189, %eq3A_190 : vector<1024xi1>
    %jit3A_192 = arith.constant 1073741824 : i32
    %broadcast_in_dim3A_193 = vector.broadcast %jit3A_192 : i32 to vector<1024xi32>
    %select_n3A_194 = arith.select %or3A_191, %broadcast_in_dim3A_193, %get3A_14 : vector<1024xi1>, vector<1024xi32>
    %swap3A_195 = arith.constant 3 : index
    %swap3A_196 = arith.constant 0 : index
    %swap3A_197 = vector.load %arg1[%swap3A_195, %swap3A_196] : memref<16x1024xi32, #tpu.memory_space<vmem>>, vector<1x1024xi32>
    %swap3A_198 = vector.shape_cast %swap3A_197 : vector<1x1024xi32> to vector<1024xi32>
    %swap3A_199 = vector.shape_cast %select_n3A_194 : vector<1024xi32> to vector<1x1024xi32>
    tpu.vector_store %arg1[%swap3A_195, %swap3A_196], %swap3A_199 {strides = array<i32>} : memref<16x1024xi32, #tpu.memory_space<vmem>>, vector<1x1024xi32>,
    %ne3A_200 = arith.cmpi ne, %get3A_18, %get3A_18 : vector<1024xi32>
    %eq3A_201 = arith.cmpi eq, %get3A_18, %get3A_22 : vector<1024xi32>
    %or3A_202 = arith.ori %ne3A_200, %eq3A_201 : vector<1024xi1>
    %eq3A_203 = arith.cmpi eq, %get3A_18, %get3A_26 : vector<1024xi32>
    %or3A_204 = arith.ori %or3A_202, %eq3A_203 : vector<1024xi1>
    %eq3A_205 = arith.cmpi eq, %get3A_18, %get3A_30 : vector<1024xi32>
    %or3A_206 = arith.ori %or3A_204, %eq3A_205 : vector<1024xi1>
    %eq3A_207 = arith.cmpi eq, %get3A_18, %get3A_34 : vector<1024xi32>
    %or3A_208 = arith.ori %or3A_206, %eq3A_207 : vector<1024xi1>
    %eq3A_209 = arith.cmpi eq, %get3A_18, %get3A_38 : vector<1024xi32>
    %or3A_210 = arith.ori %or3A_208, %eq3A_209 : vector<1024xi1>
    %eq3A_211 = arith.cmpi eq, %get3A_18, %get3A_42 : vector<1024xi32>
    %or3A_212 = arith.ori %or3A_210, %eq3A_211 : vector<1024xi1>
    %eq3A_213 = arith.cmpi eq, %get3A_18, %get3A_46 : vector<1024xi32>
    %or3A_214 = arith.ori %or3A_212, %eq3A_213 : vector<1024xi1>
    %eq3A_215 = arith.cmpi eq, %get3A_18, %get3A_50 : vector<1024xi32>
    %or3A_216 = arith.ori %or3A_214, %eq3A_215 : vector<1024xi1>
    %eq3A_217 = arith.cmpi eq, %get3A_18, %get3A_54 : vector<1024xi32>
    %or3A_218 = arith.ori %or3A_216, %eq3A_217 : vector<1024xi1>
    %eq3A_219 = arith.cmpi eq, %get3A_18, %get3A_58 : vector<1024xi32>
    %or3A_220 = arith.ori %or3A_218, %eq3A_219 : vector<1024xi1>
    %eq3A_221 = arith.cmpi eq, %get3A_18, %get3A_62 : vector<1024xi32>
    %or3A_222 = arith.ori %or3A_220, %eq3A_221 : vector<1024xi1>
    %jit3A_223 = arith.constant 1073741824 : i32
    %broadcast_in_dim3A_224 = vector.broadcast %jit3A_223 : i32 to vector<1024xi32>
    %select_n3A_225 = arith.select %or3A_222, %broadcast_in_dim3A_224, %get3A_18 : vector<1024xi1>, vector<1024xi32>
    %swap3A_226 = arith.constant 4 : index
    %swap3A_227 = arith.constant 0 : index
    %swap3A_228 = vector.load %arg1[%swap3A_226, %swap3A_227] : memref<16x1024xi32, #tpu.memory_space<vmem>>, vector<1x1024xi32>
    %swap3A_229 = vector.shape_cast %swap3A_228 : vector<1x1024xi32> to vector<1024xi32>
    %swap3A_230 = vector.shape_cast %select_n3A_225 : vector<1024xi32> to vector<1x1024xi32>
    tpu.vector_store %arg1[%swap3A_226, %swap3A_227], %swap3A_230 {strides = array<i32>} : memref<16x1024xi32, #tpu.memory_space<vmem>>, vector<1x1024xi32>,
    %ne3A_231 = arith.cmpi ne, %get3A_22, %get3A_22 : vector<1024xi32>
    %eq3A_232 = arith.cmpi eq, %get3A_22, %get3A_26 : vector<1024xi32>
    %or3A_233 = arith.ori %ne3A_231, %eq3A_232 : vector<1024xi1>
    %eq3A_234 = arith.cmpi eq, %get3A_22, %get3A_30 : vector<1024xi32>
    %or3A_235 = arith.ori %or3A_233, %eq3A_234 : vector<1024xi1>
    %eq3A_236 = arith.cmpi eq, %get3A_22, %get3A_34 : vector<1024xi32>
    %or3A_237 = arith.ori %or3A_235, %eq3A_236 : vector<1024xi1>
    %eq3A_238 = arith.cmpi eq, %get3A_22, %get3A_38 : vector<1024xi32>
    %or3A_239 = arith.ori %or3A_237, %eq3A_238 : vector<1024xi1>
    %eq3A_240 = arith.cmpi eq, %get3A_22, %get3A_42 : vector<1024xi32>
    %or3A_241 = arith.ori %or3A_239, %eq3A_240 : vector<1024xi1>
    %eq3A_242 = arith.cmpi eq, %get3A_22, %get3A_46 : vector<1024xi32>
    %or3A_243 = arith.ori %or3A_241, %eq3A_242 : vector<1024xi1>
    %eq3A_244 = arith.cmpi eq, %get3A_22, %get3A_50 : vector<1024xi32>
    %or3A_245 = arith.ori %or3A_243, %eq3A_244 : vector<1024xi1>
    %eq3A_246 = arith.cmpi eq, %get3A_22, %get3A_54 : vector<1024xi32>
    %or3A_247 = arith.ori %or3A_245, %eq3A_246 : vector<1024xi1>
    %eq3A_248 = arith.cmpi eq, %get3A_22, %get3A_58 : vector<1024xi32>
    %or3A_249 = arith.ori %or3A_247, %eq3A_248 : vector<1024xi1>
    %eq3A_250 = arith.cmpi eq, %get3A_22, %get3A_62 : vector<1024xi32>
    %or3A_251 = arith.ori %or3A_249, %eq3A_250 : vector<1024xi1>
    %jit3A_252 = arith.constant 1073741824 : i32
    %broadcast_in_dim3A_253 = vector.broadcast %jit3A_252 : i32 to vector<1024xi32>
    %select_n3A_254 = arith.select %or3A_251, %broadcast_in_dim3A_253, %get3A_22 : vector<1024xi1>, vector<1024xi32>
    %swap3A_255 = arith.constant 5 : index
    %swap3A_256 = arith.constant 0 : index
    %swap3A_257 = vector.load %arg1[%swap3A_255, %swap3A_256] : memref<16x1024xi32, #tpu.memory_space<vmem>>, vector<1x1024xi32>
    %swap3A_258 = vector.shape_cast %swap3A_257 : vector<1x1024xi32> to vector<1024xi32>
    %swap3A_259 = vector.shape_cast %select_n3A_254 : vector<1024xi32> to vector<1x1024xi32>
    tpu.vector_store %arg1[%swap3A_255, %swap3A_256], %swap3A_259 {strides = array<i32>} : memref<16x1024xi32, #tpu.memory_space<vmem>>, vector<1x1024xi32>,
    %ne3A_260 = arith.cmpi ne, %get3A_26, %get3A_26 : vector<1024xi32>
    %eq3A_261 = arith.cmpi eq, %get3A_26, %get3A_30 : vector<1024xi32>
    %or3A_262 = arith.ori %ne3A_260, %eq3A_261 : vector<1024xi1>
    %eq3A_263 = arith.cmpi eq, %get3A_26, %get3A_34 : vector<1024xi32>
    %or3A_264 = arith.ori %or3A_262, %eq3A_263 : vector<1024xi1>
    %eq3A_265 = arith.cmpi eq, %get3A_26, %get3A_38 : vector<1024xi32>
    %or3A_266 = arith.ori %or3A_264, %eq3A_265 : vector<1024xi1>
    %eq3A_267 = arith.cmpi eq, %get3A_26, %get3A_42 : vector<1024xi32>
    %or3A_268 = arith.ori %or3A_266, %eq3A_267 : vector<1024xi1>
    %eq3A_269 = arith.cmpi eq, %get3A_26, %get3A_46 : vector<1024xi32>
    %or3A_270 = arith.ori %or3A_268, %eq3A_269 : vector<1024xi1>
    %eq3A_271 = arith.cmpi eq, %get3A_26, %get3A_50 : vector<1024xi32>
    %or3A_272 = arith.ori %or3A_270, %eq3A_271 : vector<1024xi1>
    %eq3A_273 = arith.cmpi eq, %get3A_26, %get3A_54 : vector<1024xi32>
    %or3A_274 = arith.ori %or3A_272, %eq3A_273 : vector<1024xi1>
    %eq3A_275 = arith.cmpi eq, %get3A_26, %get3A_58 : vector<1024xi32>
    %or3A_276 = arith.ori %or3A_274, %eq3A_275 : vector<1024xi1>
    %eq3A_277 = arith.cmpi eq, %get3A_26, %get3A_62 : vector<1024xi32>
    %or3A_278 = arith.ori %or3A_276, %eq3A_277 : vector<1024xi1>
    %jit3A_279 = arith.constant 1073741824 : i32
    %broadcast_in_dim3A_280 = vector.broadcast %jit3A_279 : i32 to vector<1024xi32>
    %select_n3A_281 = arith.select %or3A_278, %broadcast_in_dim3A_280, %get3A_26 : vector<1024xi1>, vector<1024xi32>
    %swap3A_282 = arith.constant 6 : index
    %swap3A_283 = arith.constant 0 : index
    %swap3A_284 = vector.load %arg1[%swap3A_282, %swap3A_283] : memref<16x1024xi32, #tpu.memory_space<vmem>>, vector<1x1024xi32>
    %swap3A_285 = vector.shape_cast %swap3A_284 : vector<1x1024xi32> to vector<1024xi32>
    %swap3A_286 = vector.shape_cast %select_n3A_281 : vector<1024xi32> to vector<1x1024xi32>
    tpu.vector_store %arg1[%swap3A_282, %swap3A_283], %swap3A_286 {strides = array<i32>} : memref<16x1024xi32, #tpu.memory_space<vmem>>, vector<1x1024xi32>,
    %ne3A_287 = arith.cmpi ne, %get3A_30, %get3A_30 : vector<1024xi32>
    %eq3A_288 = arith.cmpi eq, %get3A_30, %get3A_34 : vector<1024xi32>
    %or3A_289 = arith.ori %ne3A_287, %eq3A_288 : vector<1024xi1>
    %eq3A_290 = arith.cmpi eq, %get3A_30, %get3A_38 : vector<1024xi32>
    %or3A_291 = arith.ori %or3A_289, %eq3A_290 : vector<1024xi1>
    %eq3A_292 = arith.cmpi eq, %get3A_30, %get3A_42 : vector<1024xi32>
    %or3A_293 = arith.ori %or3A_291, %eq3A_292 : vector<1024xi1>
    %eq3A_294 = arith.cmpi eq, %get3A_30, %get3A_46 : vector<1024xi32>
    %or3A_295 = arith.ori %or3A_293, %eq3A_294 : vector<1024xi1>
    %eq3A_296 = arith.cmpi eq, %get3A_30, %get3A_50 : vector<1024xi32>
    %or3A_297 = arith.ori %or3A_295, %eq3A_296 : vector<1024xi1>
    %eq3A_298 = arith.cmpi eq, %get3A_30, %get3A_54 : vector<1024xi32>
    %or3A_299 = arith.ori %or3A_297, %eq3A_298 : vector<1024xi1>
    %eq3A_300 = arith.cmpi eq, %get3A_30, %get3A_58 : vector<1024xi32>
    %or3A_301 = arith.ori %or3A_299, %eq3A_300 : vector<1024xi1>
    %eq3A_302 = arith.cmpi eq, %get3A_30, %get3A_62 : vector<1024xi32>
    %or3A_303 = arith.ori %or3A_301, %eq3A_302 : vector<1024xi1>
    %jit3A_304 = arith.constant 1073741824 : i32
    %broadcast_in_dim3A_305 = vector.broadcast %jit3A_304 : i32 to vector<1024xi32>
    %select_n3A_306 = arith.select %or3A_303, %broadcast_in_dim3A_305, %get3A_30 : vector<1024xi1>, vector<1024xi32>
    %swap3A_307 = arith.constant 7 : index
    %swap3A_308 = arith.constant 0 : index
    %swap3A_309 = vector.load %arg1[%swap3A_307, %swap3A_308] : memref<16x1024xi32, #tpu.memory_space<vmem>>, vector<1x1024xi32>
    %swap3A_310 = vector.shape_cast %swap3A_309 : vector<1x1024xi32> to vector<1024xi32>
    %swap3A_311 = vector.shape_cast %select_n3A_306 : vector<1024xi32> to vector<1x1024xi32>
    tpu.vector_store %arg1[%swap3A_307, %swap3A_308], %swap3A_311 {strides = array<i32>} : memref<16x1024xi32, #tpu.memory_space<vmem>>, vector<1x1024xi32>,
    %ne3A_312 = arith.cmpi ne, %get3A_34, %get3A_34 : vector<1024xi32>
    %eq3A_313 = arith.cmpi eq, %get3A_34, %get3A_38 : vector<1024xi32>
    %or3A_314 = arith.ori %ne3A_312, %eq3A_313 : vector<1024xi1>
    %eq3A_315 = arith.cmpi eq, %get3A_34, %get3A_42 : vector<1024xi32>
    %or3A_316 = arith.ori %or3A_314, %eq3A_315 : vector<1024xi1>
    %eq3A_317 = arith.cmpi eq, %get3A_34, %get3A_46 : vector<1024xi32>
    %or3A_318 = arith.ori %or3A_316, %eq3A_317 : vector<1024xi1>
    %eq3A_319 = arith.cmpi eq, %get3A_34, %get3A_50 : vector<1024xi32>
    %or3A_320 = arith.ori %or3A_318, %eq3A_319 : vector<1024xi1>
    %eq3A_321 = arith.cmpi eq, %get3A_34, %get3A_54 : vector<1024xi32>
    %or3A_322 = arith.ori %or3A_320, %eq3A_321 : vector<1024xi1>
    %eq3A_323 = arith.cmpi eq, %get3A_34, %get3A_58 : vector<1024xi32>
    %or3A_324 = arith.ori %or3A_322, %eq3A_323 : vector<1024xi1>
    %eq3A_325 = arith.cmpi eq, %get3A_34, %get3A_62 : vector<1024xi32>
    %or3A_326 = arith.ori %or3A_324, %eq3A_325 : vector<1024xi1>
    %jit3A_327 = arith.constant 1073741824 : i32
    %broadcast_in_dim3A_328 = vector.broadcast %jit3A_327 : i32 to vector<1024xi32>
    %select_n3A_329 = arith.select %or3A_326, %broadcast_in_dim3A_328, %get3A_34 : vector<1024xi1>, vector<1024xi32>
    %swap3A_330 = arith.constant 8 : index
    %swap3A_331 = arith.constant 0 : index
    %swap3A_332 = vector.load %arg1[%swap3A_330, %swap3A_331] : memref<16x1024xi32, #tpu.memory_space<vmem>>, vector<1x1024xi32>
    %swap3A_333 = vector.shape_cast %swap3A_332 : vector<1x1024xi32> to vector<1024xi32>
    %swap3A_334 = vector.shape_cast %select_n3A_329 : vector<1024xi32> to vector<1x1024xi32>
    tpu.vector_store %arg1[%swap3A_330, %swap3A_331], %swap3A_334 {strides = array<i32>} : memref<16x1024xi32, #tpu.memory_space<vmem>>, vector<1x1024xi32>,
    %ne3A_335 = arith.cmpi ne, %get3A_38, %get3A_38 : vector<1024xi32>
    %eq3A_336 = arith.cmpi eq, %get3A_38, %get3A_42 : vector<1024xi32>
    %or3A_337 = arith.ori %ne3A_335, %eq3A_336 : vector<1024xi1>
    %eq3A_338 = arith.cmpi eq, %get3A_38, %get3A_46 : vector<1024xi32>
    %or3A_339 = arith.ori %or3A_337, %eq3A_338 : vector<1024xi1>
    %eq3A_340 = arith.cmpi eq, %get3A_38, %get3A_50 : vector<1024xi32>
    %or3A_341 = arith.ori %or3A_339, %eq3A_340 : vector<1024xi1>
    %eq3A_342 = arith.cmpi eq, %get3A_38, %get3A_54 : vector<1024xi32>
    %or3A_343 = arith.ori %or3A_341, %eq3A_342 : vector<1024xi1>
    %eq3A_344 = arith.cmpi eq, %get3A_38, %get3A_58 : vector<1024xi32>
    %or3A_345 = arith.ori %or3A_343, %eq3A_344 : vector<1024xi1>
    %eq3A_346 = arith.cmpi eq, %get3A_38, %get3A_62 : vector<1024xi32>
    %or3A_347 = arith.ori %or3A_345, %eq3A_346 : vector<1024xi1>
    %jit3A_348 = arith.constant 1073741824 : i32
    %broadcast_in_dim3A_349 = vector.broadcast %jit3A_348 : i32 to vector<1024xi32>
    %select_n3A_350 = arith.select %or3A_347, %broadcast_in_dim3A_349, %get3A_38 : vector<1024xi1>, vector<1024xi32>
    %swap3A_351 = arith.constant 9 : index
    %swap3A_352 = arith.constant 0 : index
    %swap3A_353 = vector.load %arg1[%swap3A_351, %swap3A_352] : memref<16x1024xi32, #tpu.memory_space<vmem>>, vector<1x1024xi32>
    %swap3A_354 = vector.shape_cast %swap3A_353 : vector<1x1024xi32> to vector<1024xi32>
    %swap3A_355 = vector.shape_cast %select_n3A_350 : vector<1024xi32> to vector<1x1024xi32>
    tpu.vector_store %arg1[%swap3A_351, %swap3A_352], %swap3A_355 {strides = array<i32>} : memref<16x1024xi32, #tpu.memory_space<vmem>>, vector<1x1024xi32>,
    %ne3A_356 = arith.cmpi ne, %get3A_42, %get3A_42 : vector<1024xi32>
    %eq3A_357 = arith.cmpi eq, %get3A_42, %get3A_46 : vector<1024xi32>
    %or3A_358 = arith.ori %ne3A_356, %eq3A_357 : vector<1024xi1>
    %eq3A_359 = arith.cmpi eq, %get3A_42, %get3A_50 : vector<1024xi32>
    %or3A_360 = arith.ori %or3A_358, %eq3A_359 : vector<1024xi1>
    %eq3A_361 = arith.cmpi eq, %get3A_42, %get3A_54 : vector<1024xi32>
    %or3A_362 = arith.ori %or3A_360, %eq3A_361 : vector<1024xi1>
    %eq3A_363 = arith.cmpi eq, %get3A_42, %get3A_58 : vector<1024xi32>
    %or3A_364 = arith.ori %or3A_362, %eq3A_363 : vector<1024xi1>
    %eq3A_365 = arith.cmpi eq, %get3A_42, %get3A_62 : vector<1024xi32>
    %or3A_366 = arith.ori %or3A_364, %eq3A_365 : vector<1024xi1>
    %jit3A_367 = arith.constant 1073741824 : i32
    %broadcast_in_dim3A_368 = vector.broadcast %jit3A_367 : i32 to vector<1024xi32>
    %select_n3A_369 = arith.select %or3A_366, %broadcast_in_dim3A_368, %get3A_42 : vector<1024xi1>, vector<1024xi32>
    %swap3A_370 = arith.constant 10 : index
    %swap3A_371 = arith.constant 0 : index
    %swap3A_372 = vector.load %arg1[%swap3A_370, %swap3A_371] : memref<16x1024xi32, #tpu.memory_space<vmem>>, vector<1x1024xi32>
    %swap3A_373 = vector.shape_cast %swap3A_372 : vector<1x1024xi32> to vector<1024xi32>
    %swap3A_374 = vector.shape_cast %select_n3A_369 : vector<1024xi32> to vector<1x1024xi32>
    tpu.vector_store %arg1[%swap3A_370, %swap3A_371], %swap3A_374 {strides = array<i32>} : memref<16x1024xi32, #tpu.memory_space<vmem>>, vector<1x1024xi32>,
    %ne3A_375 = arith.cmpi ne, %get3A_46, %get3A_46 : vector<1024xi32>
    %eq3A_376 = arith.cmpi eq, %get3A_46, %get3A_50 : vector<1024xi32>
    %or3A_377 = arith.ori %ne3A_375, %eq3A_376 : vector<1024xi1>
    %eq3A_378 = arith.cmpi eq, %get3A_46, %get3A_54 : vector<1024xi32>
    %or3A_379 = arith.ori %or3A_377, %eq3A_378 : vector<1024xi1>
    %eq3A_380 = arith.cmpi eq, %get3A_46, %get3A_58 : vector<1024xi32>
    %or3A_381 = arith.ori %or3A_379, %eq3A_380 : vector<1024xi1>
    %eq3A_382 = arith.cmpi eq, %get3A_46, %get3A_62 : vector<1024xi32>
    %or3A_383 = arith.ori %or3A_381, %eq3A_382 : vector<1024xi1>
    %jit3A_384 = arith.constant 1073741824 : i32
    %broadcast_in_dim3A_385 = vector.broadcast %jit3A_384 : i32 to vector<1024xi32>
    %select_n3A_386 = arith.select %or3A_383, %broadcast_in_dim3A_385, %get3A_46 : vector<1024xi1>, vector<1024xi32>
    %swap3A_387 = arith.constant 11 : index
    %swap3A_388 = arith.constant 0 : index
    %swap3A_389 = vector.load %arg1[%swap3A_387, %swap3A_388] : memref<16x1024xi32, #tpu.memory_space<vmem>>, vector<1x1024xi32>
    %swap3A_390 = vector.shape_cast %swap3A_389 : vector<1x1024xi32> to vector<1024xi32>
    %swap3A_391 = vector.shape_cast %select_n3A_386 : vector<1024xi32> to vector<1x1024xi32>
    tpu.vector_store %arg1[%swap3A_387, %swap3A_388], %swap3A_391 {strides = array<i32>} : memref<16x1024xi32, #tpu.memory_space<vmem>>, vector<1x1024xi32>,
    %ne3A_392 = arith.cmpi ne, %get3A_50, %get3A_50 : vector<1024xi32>
    %eq3A_393 = arith.cmpi eq, %get3A_50, %get3A_54 : vector<1024xi32>
    %or3A_394 = arith.ori %ne3A_392, %eq3A_393 : vector<1024xi1>
    %eq3A_395 = arith.cmpi eq, %get3A_50, %get3A_58 : vector<1024xi32>
    %or3A_396 = arith.ori %or3A_394, %eq3A_395 : vector<1024xi1>
    %eq3A_397 = arith.cmpi eq, %get3A_50, %get3A_62 : vector<1024xi32>
    %or3A_398 = arith.ori %or3A_396, %eq3A_397 : vector<1024xi1>
    %jit3A_399 = arith.constant 1073741824 : i32
    %broadcast_in_dim3A_400 = vector.broadcast %jit3A_399 : i32 to vector<1024xi32>
    %select_n3A_401 = arith.select %or3A_398, %broadcast_in_dim3A_400, %get3A_50 : vector<1024xi1>, vector<1024xi32>
    %swap3A_402 = arith.constant 12 : index
    %swap3A_403 = arith.constant 0 : index
    %swap3A_404 = vector.load %arg1[%swap3A_402, %swap3A_403] : memref<16x1024xi32, #tpu.memory_space<vmem>>, vector<1x1024xi32>
    %swap3A_405 = vector.shape_cast %swap3A_404 : vector<1x1024xi32> to vector<1024xi32>
    %swap3A_406 = vector.shape_cast %select_n3A_401 : vector<1024xi32> to vector<1x1024xi32>
    tpu.vector_store %arg1[%swap3A_402, %swap3A_403], %swap3A_406 {strides = array<i32>} : memref<16x1024xi32, #tpu.memory_space<vmem>>, vector<1x1024xi32>,
    %ne3A_407 = arith.cmpi ne, %get3A_54, %get3A_54 : vector<1024xi32>
    %eq3A_408 = arith.cmpi eq, %get3A_54, %get3A_58 : vector<1024xi32>
    %or3A_409 = arith.ori %ne3A_407, %eq3A_408 : vector<1024xi1>
    %eq3A_410 = arith.cmpi eq, %get3A_54, %get3A_62 : vector<1024xi32>
    %or3A_411 = arith.ori %or3A_409, %eq3A_410 : vector<1024xi1>
    %jit3A_412 = arith.constant 1073741824 : i32
    %broadcast_in_dim3A_413 = vector.broadcast %jit3A_412 : i32 to vector<1024xi32>
    %select_n3A_414 = arith.select %or3A_411, %broadcast_in_dim3A_413, %get3A_54 : vector<1024xi1>, vector<1024xi32>
    %swap3A_415 = arith.constant 13 : index
    %swap3A_416 = arith.constant 0 : index
    %swap3A_417 = vector.load %arg1[%swap3A_415, %swap3A_416] : memref<16x1024xi32, #tpu.memory_space<vmem>>, vector<1x1024xi32>
    %swap3A_418 = vector.shape_cast %swap3A_417 : vector<1x1024xi32> to vector<1024xi32>
    %swap3A_419 = vector.shape_cast %select_n3A_414 : vector<1024xi32> to vector<1x1024xi32>
    tpu.vector_store %arg1[%swap3A_415, %swap3A_416], %swap3A_419 {strides = array<i32>} : memref<16x1024xi32, #tpu.memory_space<vmem>>, vector<1x1024xi32>,
    %ne3A_420 = arith.cmpi ne, %get3A_58, %get3A_58 : vector<1024xi32>
    %eq3A_421 = arith.cmpi eq, %get3A_58, %get3A_62 : vector<1024xi32>
    %or3A_422 = arith.ori %ne3A_420, %eq3A_421 : vector<1024xi1>
    %jit3A_423 = arith.constant 1073741824 : i32
    %broadcast_in_dim3A_424 = vector.broadcast %jit3A_423 : i32 to vector<1024xi32>
    %select_n3A_425 = arith.select %or3A_422, %broadcast_in_dim3A_424, %get3A_58 : vector<1024xi1>, vector<1024xi32>
    %swap3A_426 = arith.constant 14 : index
    %swap3A_427 = arith.constant 0 : index
    %swap3A_428 = vector.load %arg1[%swap3A_426, %swap3A_427] : memref<16x1024xi32, #tpu.memory_space<vmem>>, vector<1x1024xi32>
    %swap3A_429 = vector.shape_cast %swap3A_428 : vector<1x1024xi32> to vector<1024xi32>
    %swap3A_430 = vector.shape_cast %select_n3A_425 : vector<1024xi32> to vector<1x1024xi32>
    tpu.vector_store %arg1[%swap3A_426, %swap3A_427], %swap3A_430 {strides = array<i32>} : memref<16x1024xi32, #tpu.memory_space<vmem>>, vector<1x1024xi32>,
    %swap3A_431 = arith.constant 15 : index
    %swap3A_432 = arith.constant 0 : index
    %swap3A_433 = vector.load %arg1[%swap3A_431, %swap3A_432] : memref<16x1024xi32, #tpu.memory_space<vmem>>, vector<1x1024xi32>
    %swap3A_434 = vector.shape_cast %swap3A_433 : vector<1x1024xi32> to vector<1024xi32>
    %swap3A_435 = vector.shape_cast %get3A_62 : vector<1024xi32> to vector<1x1024xi32>
    tpu.vector_store %arg1[%swap3A_431, %swap3A_432], %swap3A_435 {strides = array<i32>} : memref<16x1024xi32, #tpu.memory_space<vmem>>, vector<1x1024xi32>,
    return
  }
}

module attributes {stable_mosaic.version = 14 : i64} {
  func.func @_copy_body(%arg0: i32, %arg1: memref<5000x128xf32, #tpu.memory_space<vmem>>, %arg2: memref<5000x128xf32, #tpu.memory_space<vmem>>) attributes {dimension_semantics = [#tpu.dimension_semantics<arbitrary>], iteration_bounds = array<i64: 20>, scalar_prefetch = 0 : i64, scratch_operands = 0 : i64, tpu.core_type = #tpu.core_type<tc>, window_params = [{transform_indices = @transform_0, window_bounds = array<i64: 5000, 128>}, {transform_indices = @transform_1, window_bounds = array<i64: 5000, 128>}]} {
    %get3A = arith.constant 0 : index
    %get3A_0 = arith.constant 0 : index
    %get3A_1 = vector.load %arg1[%get3A, %get3A_0] : memref<5000x128xf32, #tpu.memory_space<vmem>>, vector<5000x128xf32>
    %swap3A = arith.constant 0 : index
    %swap3A_2 = arith.constant 0 : index
    %swap3A_3 = vector.load %arg2[%swap3A, %swap3A_2] : memref<5000x128xf32, #tpu.memory_space<vmem>>, vector<5000x128xf32>
    tpu.vector_store %arg2[%swap3A, %swap3A_2], %get3A_1 {strides = array<i32>} : memref<5000x128xf32, #tpu.memory_space<vmem>>, vector<5000x128xf32>,
    return
  }
  func.func @transform_0(%arg0: i32) -> (i32, i32) {
    %c0_i32 = arith.constant 0 : i32
    %c0_i32_0 = arith.constant 0 : i32
    return %arg0, %c0_i32 : i32, i32
  }
  func.func @transform_1(%arg0: i32) -> (i32, i32) {
    %c0_i32 = arith.constant 0 : i32
    %c0_i32_0 = arith.constant 0 : i32
    return %arg0, %c0_i32 : i32, i32
  }
}

</mosaic_0001>

<sc_bundles>
// kernel: kernel.10.cloned.1.call-start
scs
__scs_entry_jumppad:
0x0: {  	(pc) =	sbr.rel $0x88, $3  }
0x1: {  	(tag) =	ssettag $0x0;
	lr =	simm.s32 $0x1  }
0x2: {  	[smem:$0x3F9B] =	sst lr;
	_ =	strace $0xD0000000  }
0x3: {  	_ = 	snop  }
0x4: {  	_ = 	snop  }
0x5: {  	_ = 	snop  }
0x6: {  	_ = 	snop  }
0x7: {  	_ = 	snop  }
__scs_overlays_trampoline_lowered:
0x8: {  	[smem:$0x3FAA] =	sst s0  }
0x9: {  	[smem:$0x3FAB] =	sst s1  }
0xa: {  	[smem:$0x3FAC] =	sst s2  }
0xb: {  	[smem:$0x3FAD] =	sst s3  }
0xc: {  	[smem:$0x3FAE] =	sst s4  }
0xd: {  	[smem:$0x3FAF] =	sst s5  }
0xe: {  	[smem:$0x3FB0] =	sst s6  }
0xf: {  	[smem:$0x3FB1] =	sst s7  }
0x10: {  	[smem:$0x3FB2] =	sst s8  }
0x11: {  	[smem:$0x3FB3] =	sst s9;
	s0 =	simm.s32 @!p0 $0x0  }
0x12: {  	s1 =	sld [smem:$0x3F99];
	s0 =	simm.s32 @p0 $0x1  }
0x13: {  	[smem:$0x3FB4] =	sst s0;
	s0 =	simm.s32 @!p1 $0x0  }
0x14: {  	s2 =	sld [smem:$0x3F98];
	s0 =	simm.s32 @p1 $0x1  }
0x15: {  	[smem:$0x3FB5] =	sst s0;
	s0 =	simm.s32 @!p2 $0x0  }
0x16: {  	s3 =	sld [smem:$0x3FDB];
	s0 =	simm.s32 @p2 $0x1  }
0x17: {  	s4 =	simm.s32 $0x1BF5;
	[smem:$0x3FB7] =	sst s0  }
0x18: {  	s0 =	sld [smem:$0x3F9A];
	_ =	swait.ge [sflag:s4], $0x0  }
0x19: {  	s7 =	sld [smem:$0x3F9B]  }
0x1a: {  	s8 =	sadd.s32 $0xFFFFE003, lr  }
0x1b: {  	s9 =	sadd.s32 $0xFFFFFEF7, lr;
	s5 =	simm.s32 $0xFFFFFFFF;
	p2 =	slt.u32 s8, $0xFFFFF086  }
0x1c: {  	p1 =	slt.u32 s9, $0xF7A;
	s5 =	simm.s32 @!p2 $0x0  }
0x1d: {  	s5 =	simm.s32 @p1 $0x1;
	p0 =	seq.s32 s7, s2  }
0x1e: {  	s7 =	smul.u32 @!p0 $0xF7A, s2;
	p2 =	seq.s32 @!p0 s5, $0x0  }
0x1f: {  	s9 =	smul.u32 $0xF7A, s1;
	s8 =	simm.s32 @!p0 $0x1BF5;
	p2 =	por !p2, p0  }
0x20: {  	[sflag:s8] =	ssyncset.s32 @!p0 $0xFFFFF086;
	s6 =	sadd.s32 @!p0 s3, s7;
	s7 =	simm.s32 @!p0 $0x108  }
0x21: {  	s3 =	sadd.s32 s3, s9;
	s6 =	sadd.s32 @!p0 $0x88, s6;
	s7 =	simm.s32 @p2 $0x1082  }
0x22: {  	[simem:s7], [sflag:s8] =	dma.local @!p0 [hbm:s6], $0xF7A  }
0x23: {  	s9 =	sor.u32 $0xD0000000, s2;
	s6 =	simm.s32 $0x108;
	_ =	swait.ge @!p0 [sflag:s8], $0x0  }
0x24: {  	s3 =	sadd.s32 $0x88, s3;
	s6 =	simm.s32 @!p1 $0x1082;
	[sflag:s4] =	ssyncset.s32 $0xFFFFF086  }
0x25: {  	[simem:s6], [sflag:s4] =	dma.local [hbm:s3], $0xF7A  }
0x26: {  	[smem:$0x3F9B] =	sst s1;
	(tag) =	ssettag s2;
	_ =	strace s9  }
0x27: {  	s1 =	sld [smem:$0x3FAB]  }
0x28: {  	s2 =	sld [smem:$0x3FAC]  }
0x29: {  	s4 =	sld [smem:$0x3FAE]  }
0x2a: {  	p0 =	seq.s32 s5, $0x0;
	s5 =	sld [smem:$0x3FAF]  }
0x2b: {  	s6 =	sld [smem:$0x3FB0]  }
0x2c: {  	s7 =	sld [smem:$0x3FB1]  }
0x2d: {  	s3 =	simm.s32 $0x108;
	s8 =	sld [smem:$0x3FB2]  }
0x2e: {  	s3 =	simm.s32 @!p0 $0x1082;
	s9 =	sld [smem:$0x3FB3]  }
0x2f: {  	lr =	sadd.s32 s0, s3;
	s0 =	sld [smem:$0x3FAA]  }
0x30: {  	s3 =	sld [smem:$0x3FAD]  }
0x31: {  	[smem:$0x3FB6] =	sst s10  }
0x32: {  	s10 =	sld [smem:$0x3FB4];
	_ =	sdelay $0x3  }
0x33: {  	p0 =	seq.s32 s10, $0x1;
	s10 =	sld [smem:$0x3FB6];
	_ =	sdelay $0x3  }
0x34: {  	[smem:$0x3FB6] =	sst s10  }
0x35: {  	s10 =	sld [smem:$0x3FB5];
	_ =	sdelay $0x3  }
0x36: {  	p1 =	seq.s32 s10, $0x1;
	s10 =	sld [smem:$0x3FB6];
	_ =	sdelay $0x3  }
0x37: {  	[smem:$0x3FB6] =	sst s10  }
0x38: {  	s10 =	sld [smem:$0x3FB7]  }
0x39: {  	_ = 	snop;
	(pc) =	sbr.ind lr, $3  }
0x3a: {  	_ = 	snop  }
0x3b: {  	_ = 	snop  }
0x3c: {  	p2 =	seq.s32 s10, $0x1;
	s10 =	sld [smem:$0x3FB6]  }
0x3d: {  	_ =	shalt  }
0x3e: {  	_ =	shalt  }
0x3f: {  	_ =	shalt  }
0x40: {  	_ =	shalt  }
0x41: {  	_ =	shalt  }
0x42: {  	_ =	shalt  }
0x43: {  	_ =	shalt  }
0x44: {  	_ =	shalt  }
0x45: {  	_ =	shalt  }
0x46: {  	_ =	shalt  }
0x47: {  	_ =	shalt  }
0x48: {  	_ =	shalt  }
0x49: {  	_ =	shalt  }
0x4a: {  	_ =	shalt  }
0x4b: {  	_ =	shalt  }
0x4c: {  	_ =	shalt  }
0x4d: {  	_ =	shalt  }
0x4e: {  	_ =	shalt  }
0x4f: {  	_ =	shalt  }
0x50: {  	_ =	shalt  }
0x51: {  	_ =	shalt  }
0x52: {  	_ =	shalt  }
0x53: {  	_ =	shalt  }
0x54: {  	_ =	shalt  }
0x55: {  	_ =	shalt  }
0x56: {  	_ =	shalt  }
0x57: {  	_ =	shalt  }
0x58: {  	_ =	shalt  }
0x59: {  	_ =	shalt  }
0x5a: {  	_ =	shalt  }
0x5b: {  	_ =	shalt  }
0x5c: {  	_ =	shalt  }
0x5d: {  	_ =	shalt  }
0x5e: {  	_ =	shalt  }
0x5f: {  	_ =	shalt  }
0x60: {  	_ =	shalt  }
0x61: {  	_ =	shalt  }
0x62: {  	_ =	shalt  }
0x63: {  	_ =	shalt  }
0x64: {  	_ =	shalt  }
0x65: {  	_ =	shalt  }
0x66: {  	_ =	shalt  }
0x67: {  	_ =	shalt  }
0x68: {  	_ =	shalt  }
0x69: {  	_ =	shalt  }
0x6a: {  	_ =	shalt  }
0x6b: {  	_ =	shalt  }
0x6c: {  	_ =	shalt  }
0x6d: {  	_ =	shalt  }
0x6e: {  	_ =	shalt  }
0x6f: {  	_ =	shalt  }
0x70: {  	_ =	shalt  }
0x71: {  	_ =	shalt  }
0x72: {  	_ =	shalt  }
0x73: {  	_ =	shalt  }
0x74: {  	_ =	shalt  }
0x75: {  	_ =	shalt  }
0x76: {  	_ =	shalt  }
0x77: {  	_ =	shalt  }
0x78: {  	_ =	shalt  }
0x79: {  	_ =	shalt  }
0x7a: {  	_ =	shalt  }
0x7b: {  	_ =	shalt  }
0x7c: {  	_ =	shalt  }
0x7d: {  	_ =	shalt  }
0x7e: {  	_ =	shalt  }
0x7f: {  	_ =	shalt  }
0x80: {  	_ =	shalt  }
0x81: {  	_ =	shalt  }
0x82: {  	_ =	shalt  }
0x83: {  	_ =	shalt  }
0x84: {  	_ =	shalt  }
0x85: {  	_ =	shalt  }
0x86: {  	_ =	shalt  }
0x87: {  	_ =	shalt  }
.Lfunc_end0:
.L_simem_size_0:
called_computation.1_lowered:
.L_overlay_start_0:
0x88: {  	s2 =	sld [smem:$0x3FD9]  }
0x89: {  	s3 =	sld [smem:$0x3FFE];
	_ =	sdelay $0x1  }
0x8a: {  	s1 =	srdreg.scid  }
0x8b: {  	s0 =	sand.u32 $0x1, s1  }
0x8c: {  	s14 =	sshll.u32 s0, $0xA;
	s2 =	sadd.s32 s3, s2  }
0x8d: {  	s2 =	sadd.s32 s2, s14  }
0x8e: {  	[smem:$0x3FC2] =	sst s2  }
0x8f: {  	_ = 	snop  }
0x90: {  	s2 =	sld [smem:$0x3FD0];
	_ =	sdelay $0x1  }
0x91: {  	s15 =	sld [smem:$0x3FC7]  }
0x92: {  	s5 =	simm.s32 $0xB;
	s6 =	simm.s32 $0x10;
	s4 =	sld [smem:$0x3FC5]  }
0x93: {  	[smem:s6], [sflag:s5] =	dma.local [hbm:s2], $0x1  }
0x94: {  	_ =	swait.eq [sflag:s5], $0x1  }
0x95: {  	[sflag:s5] =	ssyncset.done $0x0  }
0x96: {  	[sflag:s5] =	ssyncadd.s32 $0xFFFFFFFF  }
0x97: {  	s16 =	sld [smem:$0x12];
	(tm) =	ssettm $0x1  }
0x98: {  	s17 =	sld [smem:$0x3FFB];
	_ =	sdelay $0x3  }
0x99: {  	_ =	strace s17  }
0x9a: {  	s5 =	sld [smem:$0x3FFC];
	_ =	sdelay $0x3  }
0x9b: {  	_ =	strace s5  }
0x9c: {  	s5 =	sld [smem:$0x3FFD];
	_ =	sdelay $0x3  }
0x9d: {  	_ =	strace s5  }
0x9e: {  	_ =	strace $0x8FFFFFFF  }
0x9f: {  	s18 =	sld [smem:$0x3FDB];
	_ =	sdelay $0x1  }
0xa0: {  	s19 =	simm.s32 $_scs_section_size  }
0xa1: {  	s7 =	simm.s32 $_size__tile_overlayer_lowered;
	s8 =	simm.s32 $_tile_overlayer_lowered  }
0xa2: {  	s22 =	simm.s32 $0x1BFF;
	s21 =	sshll.u32 s8, $0x1;
	s5 =	sadd.s32 s19, s18  }
0xa3: {  	s9 =	simm.s32 $0x0;
	s20 =	sshll.u32 s7, $0x1;
	s7 =	sadd.s32 s21, s5  }
0xa4: {  	[timem:s9], [sflag:s22] =	dma.local [hbm:s7], s20  }
0xa5: {  	_ =	swait.ge [sflag:s22], s20  }
0xa6: {  	s6 =	ssub.s32 $0x0, s20;
	[sflag:s22] =	ssyncset.done $0x0  }
0xa7: {  	[sflag:s22] =	ssyncadd.s32 s6;
	_ =	sdelay $0x1  }
0xa8: {  	s23 =	simm.s32 $0x1B8B  }
0xa9: {  	_ =	swait.ge [sflag:s23], $0x1  }
0xaa: {  	[sflag:s23] =	ssyncset.done $0x0  }
0xab: {  	s25 =	simm.s32 $0x1B8E;
	s24 =	sld [smem:$0x3FFE];
	[sflag:s23] =	ssyncadd.s32 $0xFFFFFFFF  }
0xac: {  	s26 =	simm.s32 $execute0_lowered;
	[smem:$0x3FD2] =	sst s25  }
0xad: {  	s7 =	sshll.u32 s26, $0x1;
	_ =	strace $0x80000046;
	[dreg:$0x1] =	wrdreg $0xFFFFFFFF  }
0xae: {  	s28 =	simm.s32 $_size_execute0_lowered;
	s5 =	sadd.s32 s5, s7;
	[dreg:$0x0] =	wrdreg $0x0  }
0xaf: {  	s7 =	sshll.u32 s28, $0x1;
	[dreg:$0x2] =	wrdreg s5  }
0xb0: {  	[dreg:$0x3] =	wrdreg s7  }
0xb1: {  	[dreg:$0x4] =	wrdreg $0xC0  }
0xb2: {  	_ =	task [dreg:s9], $0x5FFFF  }
0xb3: {  	[dreg:$0x1] =	wrdreg $0xFFFFFFFF  }
0xb4: {  	[dreg:$0x0] =	wrdreg $0x60  }
0xb5: {  	[dreg:$0x2] =	wrdreg s24  }
0xb6: {  	[dreg:$0x3] =	wrdreg s15  }
0xb7: {  	[dreg:$0x4] =	wrdreg s4  }
0xb8: {  	[dreg:$0x5] =	wrdreg s16  }
0xb9: {  	[dreg:$0x6] =	wrdreg $0xA  }
0xba: {  	_ =	task.clear_ibuf [dreg:s9], $0x7FFFF;
	_ =	strace $0x90000046  }
0xbb: {  	s29 =	simm.s32 $0xA;
	_ =	strace $0x80000048  }
0xbc: {  	_ =	swait.ge [sflag:s29], $0x1  }
0xbd: {  	[sflag:s29] =	ssyncadd.s32 $0xFFFFFFFF  }
0xbe: {  	_ =	strace $0x90000048  }
0xbf: {  	_ =	sfence  }
0xc0: {  	s30 =	sld [smem:$0x0];
	_ =	sdelay $0x2  }
0xc1: {  	s31 =	sshll.u32 s1, $0xD;
	s1 =	sshrl.u32 s1, $0x2  }
0xc2: {  	s3 =	sand.u32 $0x4000, s31;
	s1 =	sadd.s32 s1, s30  }
0xc3: {  	s0 =	sor.u32 s3, s0;
	s1 =	sshll.u32 s1, $0x11  }
0xc4: {  	s0 =	sor.u32 s1, s0  }
0xc5: {  	s0 =	sadd.s32 $0x8F2B, s0  }
0xc6: {  	[sflag:s0] =	ssyncadd.remote.s32 $0x1  }
0xc7: {  	_ =	sfence.sel $0xFFFF  }
0xc8: {  	[dreg:$0x0] =	wrdreg $0xFFFFFFFF;
	(pc) =	sbr.abs _section_cstart, $3  }
0xc9: {  	[dreg:$0x1] =	wrdreg $0xFFFFFFFF  }
0xca: {  	_ =	task.clear_ibuf [dreg:s9], $0x2FFFF;
	_ =	strace $0x9FFFFFFF  }
0xcb: {  	(tm) =	ssettm $0x7FFFFFFF  }
tec
execute0_lowered:
.L_overlay_start_1:
0x0: {  	(tag) =	ssettag $0x1  }
0x1: {  	s5 =	rddreg [dreg:$0x0]  }
0x2: {  	s6 =	rddreg [dreg:$0x1]  }
0x3: {  	s1 =	srdreg.scid;
	s2 =	rddreg [dreg:$0x2]  }
0x4: {  	s0 =	stileid.u32;
	s8 =	rddreg [dreg:$0x3]  }
0x5: {  	s3 =	simm.s32 $0x0;
	s4 =	sand.u32 $0x1, s1;
	s1 =	rddreg [dreg:$0x4]  }
0x6: {  	s31 =	sshll.u32 s0, $0x1;
	[smem:$0x7FF] =	sst s3  }
0x7: {  	s10 =	sor.u32 s4, s31;
	s7 =	ssub.s32 $0x2, s4;
	_ =	strace $0x80000047  }
0x8: {  	s4 =	sadd.s32 $0x1400, s5;
	s12 =	smul.u32 $0xC40, s10;
	s11 =	sshrl.u32 s7, $0x1  }
0x9: {  	p0 =	seq.s32 s10, $0x1F;
	s10 =	simm.s32 $0x1;
	s11 =	ssub.s32 s7, s11  }
0xa: {  	s9 =	sshrl.u32 s12, $0x3;
	s14 =	sadd.s32 $0xC40, s12;
	v0 =	vmov s12;
	s12 =	simm.s32 $0x4000  }
0xb: {  	s13 =	sadd.s32 s9, s5;
	s5 =	sadd.s32 s6, s9;
	s6 =	sadd.s32 $0x2F78, s6  }
0xc: {  	s8 =	sadd.s32 s8, s9;
	s9 =	smax.u32 s11, $0x1;
	s11 =	simm.s32 $0x4C80  }
0xd: {  	v2 =	vlaneseq.u32;
	v1 =	vmov s14;
	s14 =	simm.s32 $0x0;
	s7 =	sadd.s32 $0x1C00, s13;
	s13 =	simm.s32 $0x8C80  }
.LBB2_1:
0xe: {  	[tilespmem:s3], [sflag:$0x1] =	stream.linear.gather [hbm4b:s4+s3], $0x4000, $0x38;
	[tilespmem:$0x9900] =	vst v63  }
0xf: {  	_ =	swait.ge [sflag:s10], $0x4000  }
0x10: {  	[sflag:s10] =	ssyncset.done $0x0  }
0x11: {  	[sflag:s10] =	ssyncadd.s32 $0xFFFFC000  }
0x12: {  	[tilespmem:s11], [sflag:$0x1] =	stream.linear.gather [hbm4b:s2+s3], $0x4000, $0x38;
	[tilespmem:$0x9900] =	vst v63  }
0x13: {  	_ =	swait.ge [sflag:s10], $0x4000  }
0x14: {  	[sflag:s10] =	ssyncset.done $0x0  }
0x15: {  	s15 =	simm.s32 @p0 $0x0;
	s16 =	simm.s32 @p0 $0x8C80;
	[sflag:s10] =	ssyncadd.s32 $0xFFFFC000  }
0x16: {  	[tilespmem:s16], [sflag:$0x1] =	stream.linear.gather @p0 [hbm4b:s6+s15], $0xAE0, $0x38;
	[tilespmem:$0x9900] =	vst v63  }
0x17: {  	s15 =	simm.s32 @p0 $0x1  }
0x18: {  	_ =	swait.ge @p0 [sflag:s15], $0xAE0  }
0x19: {  	[sflag:s15] =	ssyncset.done @p0 $0x0  }
0x1a: {  	s16 =	simm.s32 @!p0 $0x8C80;
	[sflag:s15] =	ssyncadd.s32 @p0 $0xFFFFF520;
	s15 =	simm.s32 @!p0 $0x0  }
0x1b: {  	[tilespmem:s16], [sflag:$0x1] =	stream.linear.gather @!p0 [hbm4b:s5+s15], $0xC40, $0x38;
	[tilespmem:$0x9900] =	vst v63  }
0x1c: {  	s15 =	simm.s32 @!p0 $0x1  }
0x1d: {  	_ =	swait.ge @!p0 [sflag:s15], $0xC40  }
0x1e: {  	[sflag:s15] =	ssyncset.done @!p0 $0x0  }
0x1f: {  	[sflag:s15] =	ssyncadd.s32 @!p0 $0xFFFFF3C0  }
0x20: {  	v3 =	vld [tilespmem:s3+$0x0];
	_ =	sdelay $0x4  }
0x21: {  	vm0 =	vge.s32 v3, v0;
	vm1 =	vlt.s32 v3, v1  }
0x22: {  	v3 =	vsub.s32 v3, v0;
	vm0 =	vmand vm0, vm1  }
0x23: {  	v3 =	vnsel vm0, $0x0, v3;
	_ =	sdelay $0x3  }
0x24: {  	v4 =	vor.u32 s3, v2  }
0x25: {  	[tilespmem:v3+s12+$0x0] =	vst.idx.msk vm0, v4  }
0x26: {  	v4 =	vld [tilespmem:s11+$0x0];
	_ =	sdelay $0x4  }
0x27: {  	s15 =	simm.s32 $0x10;
	[tilespmem:v3+s13+$0x0] =	vst.idx.msk vm0, v4  }
0x28: {  	s17 =	simm.s32 $0x20;
	s18 =	simm.s32 $0x10;
	s16 =	simm.s32 $0x4C80;
	v3 =	vld [tilespmem:s15+$0x0]  }
.LBB2_2:
0x29: {  	p1 =	sne.s32 s17, $0x3FF0;
	_ =	sdelay $0x3  }
0x2a: {  	vm0 =	vge.s32 v3, v0;
	vm1 =	vlt.s32 v3, v1  }
0x2b: {  	v3 =	vsub.s32 v3, v0;
	vm0 =	vmand vm0, vm1  }
0x2c: {  	v3 =	vnsel vm0, $0x0, v3;
	_ =	sdelay $0x3  }
0x2d: {  	v4 =	vor.u32 s15, v2;
	s15 =	smov.u32 s17  }
0x2e: {  	s16 =	sadd.s32 $0x10, s16;
	[tilespmem:v3+s12+$0x0] =	vst.idx.msk vm0, v4  }
0x2f: {  	v4 =	vld [tilespmem:s16+$0x0];
	_ =	sdelay $0x1  }
.Ltmp0:
0x30: {  	(pc) =	sbr.rel @p1 .LBB2_2-.Ltmp0, $3  }
0x31: {  	_ =	sdelay $0x1  }
0x32: {  	s18 =	sadd.s32 $0x10, s18;
	[tilespmem:v3+s13+$0x0] =	vst.idx.msk vm0, v4  }
0x33: {  	s17 =	sadd.s32 $0x10, s17;
	v3 =	vld [tilespmem:s18+$0x0]  }
0x34: {  	_ =	sdelay $0x3  }
0x35: {  	vm0 =	vge.s32 v3, v0;
	vm1 =	vlt.s32 v3, v1  }
0x36: {  	v3 =	vsub.s32 v3, v0;
	vm0 =	vmand vm0, vm1  }
0x37: {  	v3 =	vnsel vm0, $0x0, v3;
	_ =	sdelay $0x3  }
0x38: {  	v4 =	vor.u32 s15, v2  }
0x39: {  	s31 =	sadd.s32 $0x10, s16;
	[tilespmem:v3+s12+$0x0] =	vst.idx.msk vm0, v4  }
0x3a: {  	v4 =	vld [tilespmem:s31+$0x0];
	_ =	sdelay $0x4  }
0x3b: {  	[tilespmem:v3+s13+$0x0] =	vst.idx.msk vm0, v4  }
0x3c: {  	[hbm4b:s7+s3] =	stream.linear.scatter [tilespmem:s12], [sflag:$0x1], $0xC40, $0x38;
	[tilespmem:$0x9900] =	vst v63  }
0x3d: {  	_ =	swait.ge [sflag:s10], $0xC40  }
0x3e: {  	[sflag:s10] =	ssyncset.done $0x0  }
0x3f: {  	s15 =	simm.s32 @p0 $0x0;
	s16 =	simm.s32 @p0 $0x8C80;
	[sflag:s10] =	ssyncadd.s32 $0xFFFFF3C0  }
0x40: {  	[hbm4b:s8+s15] =	stream.linear.scatter @p0 [tilespmem:s16], [sflag:$0x1], $0xAE0, $0x38;
	[tilespmem:$0x9900] =	vst v63  }
0x41: {  	s15 =	simm.s32 @p0 $0x1  }
0x42: {  	s14 =	sadd.s32 $0x1, s14;
	_ =	swait.ge @p0 [sflag:s15], $0xAE0  }
0x43: {  	p1 =	sne.s32 s14, s9;
	[sflag:s15] =	ssyncset.done @p0 $0x0  }
0x44: {  	s16 =	simm.s32 @!p0 $0x8C80;
	[sflag:s15] =	ssyncadd.s32 @p0 $0xFFFFF520;
	s15 =	simm.s32 @!p0 $0x0  }
0x45: {  	[hbm4b:s8+s15] =	stream.linear.scatter @!p0 [tilespmem:s16], [sflag:$0x1], $0xC40, $0x38;
	[tilespmem:$0x9900] =	vst v63  }
.Ltmp1:
0x46: {  	_ = 	snop;
	(pc) =	sbr.rel @p1 .LBB2_1-.Ltmp1, $4  }
0x47: {  	s15 =	simm.s32 @!p0 $0x1  }
0x48: {  	_ =	swait.ge @!p0 [sflag:s15], $0xC40  }
0x49: {  	[sflag:s15] =	ssyncset.done @!p0 $0x0  }
0x4a: {  	[sflag:s15] =	ssyncadd.s32 @!p0 $0xFFFFF3C0  }
0x4b: {  	_ =	sfence.sel $0x180000  }
0x4c: {  	[bflag:$0x0] =	sbarrier.arrive $0xFFFF  }
0x4d: {  	p0 =	sne.s32 s0, $0x0;
	_ =	strace $0x90000047  }
0x4e: {  	s0 =	sadd.s32 @!p0 $0x100000, s1;
	[bflag:$0x2] =	sbarrier.arrive $0xFFFF  }
0x4f: {  	[sflag:s0] =	ssyncadd.tile.s32 @!p0 $0x1;
	_ =	shalt  }
.Lfunc_end2:
_tile_overlayer_lowered:
.L_overlay_start_2:
0x50: {  	(tag) =	ssettag $0x2  }
0x51: {  	s0 =	rddreg [dreg:$0x0];
	s2 =	stileid.u32  }
0x52: {  	s1 =	rddreg [dreg:$0x1];
	p0 =	sne.s32 s2, $0x0  }
0x53: {  	s3 =	rddreg [dreg:$0x2];
	[bflag:$0x3] =	sbarrier.arrive $0xFFFF;
	s2 =	simm.s32 @!p0 $0x1C01  }
0x54: {  	[timem:s3], [sflag:s2] =	dma.local @!p0 [hbm:s0], s1  }
0x55: {  	s0 =	simm.s32 @!p0 $0x1  }
0x56: {  	_ =	swait.ge @!p0 [sflag:s0], s1  }
0x57: {  	s1 =	ssub.s32 @!p0 $0x0, s1;
	[sflag:s0] =	ssyncset.done @!p0 $0x0  }
0x58: {  	[sflag:s0] =	ssyncadd.s32 @!p0 s1  }
0x59: {  	[bflag:$0x3] =	sbarrier.arrive $0xFFFF  }
0x5a: {  	_ =	shalt  }

// kernel: kernel.13.cloned.1.call-start
scs
__scs_entry_jumppad:
0x0: {  	(pc) =	sbr.rel $0x88, $3  }
0x1: {  	(tag) =	ssettag $0x0;
	lr =	simm.s32 $0x1  }
0x2: {  	[smem:$0x3F9B] =	sst lr;
	_ =	strace $0xD0000000  }
0x3: {  	_ = 	snop  }
0x4: {  	_ = 	snop  }
0x5: {  	_ = 	snop  }
0x6: {  	_ = 	snop  }
0x7: {  	_ = 	snop  }
__scs_overlays_trampoline_lowered:
0x8: {  	[smem:$0x3FAA] =	sst s0  }
0x9: {  	[smem:$0x3FAB] =	sst s1  }
0xa: {  	[smem:$0x3FAC] =	sst s2  }
0xb: {  	[smem:$0x3FAD] =	sst s3  }
0xc: {  	[smem:$0x3FAE] =	sst s4  }
0xd: {  	[smem:$0x3FAF] =	sst s5  }
0xe: {  	[smem:$0x3FB0] =	sst s6  }
0xf: {  	[smem:$0x3FB1] =	sst s7  }
0x10: {  	[smem:$0x3FB2] =	sst s8  }
0x11: {  	[smem:$0x3FB3] =	sst s9;
	s0 =	simm.s32 @!p0 $0x0  }
0x12: {  	s1 =	sld [smem:$0x3F99];
	s0 =	simm.s32 @p0 $0x1  }
0x13: {  	[smem:$0x3FB4] =	sst s0;
	s0 =	simm.s32 @!p1 $0x0  }
0x14: {  	s2 =	sld [smem:$0x3F98];
	s0 =	simm.s32 @p1 $0x1  }
0x15: {  	[smem:$0x3FB5] =	sst s0;
	s0 =	simm.s32 @!p2 $0x0  }
0x16: {  	s3 =	sld [smem:$0x3FDB];
	s0 =	simm.s32 @p2 $0x1  }
0x17: {  	s4 =	simm.s32 $0x1BF5;
	[smem:$0x3FB7] =	sst s0  }
0x18: {  	s0 =	sld [smem:$0x3F9A];
	_ =	swait.ge [sflag:s4], $0x0  }
0x19: {  	s7 =	sld [smem:$0x3F9B]  }
0x1a: {  	s8 =	sadd.s32 $0xFFFFE003, lr  }
0x1b: {  	s9 =	sadd.s32 $0xFFFFFEF7, lr;
	s5 =	simm.s32 $0xFFFFFFFF;
	p2 =	slt.u32 s8, $0xFFFFF086  }
0x1c: {  	p1 =	slt.u32 s9, $0xF7A;
	s5 =	simm.s32 @!p2 $0x0  }
0x1d: {  	s5 =	simm.s32 @p1 $0x1;
	p0 =	seq.s32 s7, s2  }
0x1e: {  	s7 =	smul.u32 @!p0 $0xF7A, s2;
	p2 =	seq.s32 @!p0 s5, $0x0  }
0x1f: {  	s9 =	smul.u32 $0xF7A, s1;
	s8 =	simm.s32 @!p0 $0x1BF5;
	p2 =	por !p2, p0  }
0x20: {  	[sflag:s8] =	ssyncset.s32 @!p0 $0xFFFFF086;
	s6 =	sadd.s32 @!p0 s3, s7;
	s7 =	simm.s32 @!p0 $0x108  }
0x21: {  	s3 =	sadd.s32 s3, s9;
	s6 =	sadd.s32 @!p0 $0x88, s6;
	s7 =	simm.s32 @p2 $0x1082  }
0x22: {  	[simem:s7], [sflag:s8] =	dma.local @!p0 [hbm:s6], $0xF7A  }
0x23: {  	s9 =	sor.u32 $0xD0000000, s2;
	s6 =	simm.s32 $0x108;
	_ =	swait.ge @!p0 [sflag:s8], $0x0  }
0x24: {  	s3 =	sadd.s32 $0x88, s3;
	s6 =	simm.s32 @!p1 $0x1082;
	[sflag:s4] =	ssyncset.s32 $0xFFFFF086  }
0x25: {  	[simem:s6], [sflag:s4] =	dma.local [hbm:s3], $0xF7A  }
0x26: {  	[smem:$0x3F9B] =	sst s1;
	(tag) =	ssettag s2;
	_ =	strace s9  }
0x27: {  	s1 =	sld [smem:$0x3FAB]  }
0x28: {  	s2 =	sld [smem:$0x3FAC]  }
0x29: {  	s4 =	sld [smem:$0x3FAE]  }
0x2a: {  	p0 =	seq.s32 s5, $0x0;
	s5 =	sld [smem:$0x3FAF]  }
0x2b: {  	s6 =	sld [smem:$0x3FB0]  }
0x2c: {  	s7 =	sld [smem:$0x3FB1]  }
0x2d: {  	s3 =	simm.s32 $0x108;
	s8 =	sld [smem:$0x3FB2]  }
0x2e: {  	s3 =	simm.s32 @!p0 $0x1082;
	s9 =	sld [smem:$0x3FB3]  }
0x2f: {  	lr =	sadd.s32 s0, s3;
	s0 =	sld [smem:$0x3FAA]  }
0x30: {  	s3 =	sld [smem:$0x3FAD]  }
0x31: {  	[smem:$0x3FB6] =	sst s10  }
0x32: {  	s10 =	sld [smem:$0x3FB4];
	_ =	sdelay $0x3  }
0x33: {  	p0 =	seq.s32 s10, $0x1;
	s10 =	sld [smem:$0x3FB6];
	_ =	sdelay $0x3  }
0x34: {  	[smem:$0x3FB6] =	sst s10  }
0x35: {  	s10 =	sld [smem:$0x3FB5];
	_ =	sdelay $0x3  }
0x36: {  	p1 =	seq.s32 s10, $0x1;
	s10 =	sld [smem:$0x3FB6];
	_ =	sdelay $0x3  }
0x37: {  	[smem:$0x3FB6] =	sst s10  }
0x38: {  	s10 =	sld [smem:$0x3FB7]  }
0x39: {  	_ = 	snop;
	(pc) =	sbr.ind lr, $3  }
0x3a: {  	_ = 	snop  }
0x3b: {  	_ = 	snop  }
0x3c: {  	p2 =	seq.s32 s10, $0x1;
	s10 =	sld [smem:$0x3FB6]  }
0x3d: {  	_ =	shalt  }
0x3e: {  	_ =	shalt  }
0x3f: {  	_ =	shalt  }
0x40: {  	_ =	shalt  }
0x41: {  	_ =	shalt  }
0x42: {  	_ =	shalt  }
0x43: {  	_ =	shalt  }
0x44: {  	_ =	shalt  }
0x45: {  	_ =	shalt  }
0x46: {  	_ =	shalt  }
0x47: {  	_ =	shalt  }
0x48: {  	_ =	shalt  }
0x49: {  	_ =	shalt  }
0x4a: {  	_ =	shalt  }
0x4b: {  	_ =	shalt  }
0x4c: {  	_ =	shalt  }
0x4d: {  	_ =	shalt  }
0x4e: {  	_ =	shalt  }
0x4f: {  	_ =	shalt  }
0x50: {  	_ =	shalt  }
0x51: {  	_ =	shalt  }
0x52: {  	_ =	shalt  }
0x53: {  	_ =	shalt  }
0x54: {  	_ =	shalt  }
0x55: {  	_ =	shalt  }
0x56: {  	_ =	shalt  }
0x57: {  	_ =	shalt  }
0x58: {  	_ =	shalt  }
0x59: {  	_ =	shalt  }
0x5a: {  	_ =	shalt  }
0x5b: {  	_ =	shalt  }
0x5c: {  	_ =	shalt  }
0x5d: {  	_ =	shalt  }
0x5e: {  	_ =	shalt  }
0x5f: {  	_ =	shalt  }
0x60: {  	_ =	shalt  }
0x61: {  	_ =	shalt  }
0x62: {  	_ =	shalt  }
0x63: {  	_ =	shalt  }
0x64: {  	_ =	shalt  }
0x65: {  	_ =	shalt  }
0x66: {  	_ =	shalt  }
0x67: {  	_ =	shalt  }
0x68: {  	_ =	shalt  }
0x69: {  	_ =	shalt  }
0x6a: {  	_ =	shalt  }
0x6b: {  	_ =	shalt  }
0x6c: {  	_ =	shalt  }
0x6d: {  	_ =	shalt  }
0x6e: {  	_ =	shalt  }
0x6f: {  	_ =	shalt  }
0x70: {  	_ =	shalt  }
0x71: {  	_ =	shalt  }
0x72: {  	_ =	shalt  }
0x73: {  	_ =	shalt  }
0x74: {  	_ =	shalt  }
0x75: {  	_ =	shalt  }
0x76: {  	_ =	shalt  }
0x77: {  	_ =	shalt  }
0x78: {  	_ =	shalt  }
0x79: {  	_ =	shalt  }
0x7a: {  	_ =	shalt  }
0x7b: {  	_ =	shalt  }
0x7c: {  	_ =	shalt  }
0x7d: {  	_ =	shalt  }
0x7e: {  	_ =	shalt  }
0x7f: {  	_ =	shalt  }
0x80: {  	_ =	shalt  }
0x81: {  	_ =	shalt  }
0x82: {  	_ =	shalt  }
0x83: {  	_ =	shalt  }
0x84: {  	_ =	shalt  }
0x85: {  	_ =	shalt  }
0x86: {  	_ =	shalt  }
0x87: {  	_ =	shalt  }
.Lfunc_end0:
.L_simem_size_0:
called_computation.2_lowered:
.L_overlay_start_0:
0x88: {  	s2 =	sld [smem:$0x3FD9]  }
0x89: {  	s3 =	sld [smem:$0x3FFE];
	_ =	sdelay $0x1  }
0x8a: {  	s1 =	srdreg.scid  }
0x8b: {  	s0 =	sand.u32 $0x1, s1  }
0x8c: {  	s15 =	sshll.u32 s0, $0xA;
	s2 =	sadd.s32 s3, s2  }
0x8d: {  	s2 =	sadd.s32 s2, s15  }
0x8e: {  	[smem:$0x3FC2] =	sst s2  }
0x8f: {  	_ = 	snop  }
0x90: {  	s4 =	sld [smem:$0x3FD0];
	_ =	sdelay $0x1  }
0x91: {  	s2 =	sld [smem:$0x3FC6]  }
0x92: {  	s5 =	simm.s32 $0xB;
	s6 =	simm.s32 $0x10;
	s16 =	sld [smem:$0x3FC4]  }
0x93: {  	[smem:s6], [sflag:s5] =	dma.local [hbm:s4], $0x1  }
0x94: {  	_ =	swait.eq [sflag:s5], $0x1  }
0x95: {  	[sflag:s5] =	ssyncset.done $0x0  }
0x96: {  	[sflag:s5] =	ssyncadd.s32 $0xFFFFFFFF  }
0x97: {  	s17 =	sld [smem:$0x11];
	(tm) =	ssettm $0x1  }
0x98: {  	s18 =	sld [smem:$0x3FFB];
	_ =	sdelay $0x3  }
0x99: {  	_ =	strace s18  }
0x9a: {  	s4 =	sld [smem:$0x3FFC];
	_ =	sdelay $0x3  }
0x9b: {  	_ =	strace s4  }
0x9c: {  	s4 =	sld [smem:$0x3FFD];
	_ =	sdelay $0x3  }
0x9d: {  	_ =	strace s4  }
0x9e: {  	_ =	strace $0x8FFFFFFF  }
0x9f: {  	s19 =	sld [smem:$0x3FDB];
	_ =	sdelay $0x1  }
0xa0: {  	s20 =	simm.s32 $_scs_section_size  }
0xa1: {  	s7 =	simm.s32 $_size__tile_overlayer_lowered;
	s8 =	simm.s32 $_tile_overlayer_lowered  }
0xa2: {  	s9 =	simm.s32 $0x1BFF;
	s21 =	sshll.u32 s8, $0x1;
	s6 =	sadd.s32 s20, s19  }
0xa3: {  	s22 =	simm.s32 $0x0;
	s7 =	sshll.u32 s7, $0x1;
	s8 =	sadd.s32 s21, s6  }
0xa4: {  	[timem:s22], [sflag:s9] =	dma.local [hbm:s8], s7  }
0xa5: {  	_ =	swait.ge [sflag:s9], s7  }
0xa6: {  	s7 =	ssub.s32 $0x0, s7;
	[sflag:s9] =	ssyncset.done $0x0  }
0xa7: {  	[sflag:s9] =	ssyncadd.s32 s7;
	_ =	sdelay $0x1  }
0xa8: {  	s23 =	simm.s32 $0x1B8B  }
0xa9: {  	_ =	swait.ge [sflag:s23], $0x1  }
0xaa: {  	[sflag:s23] =	ssyncset.done $0x0  }
0xab: {  	[sflag:s23] =	ssyncadd.s32 $0xFFFFFFFF  }
0xac: {  	s7 =	sld [smem:$0x0]  }
0xad: {  	s8 =	sand.u32 $0xFFFFFFFE, s1  }
0xae: {  	p0 =	sne.s32 s1, s8  }
0xaf: {  	s8 =	sshll.u32 @p0 s8, $0xE  }
0xb0: {  	s8 =	sadd.s32 @p0 $0x11B8D, s8;
	s9 =	sshll.u32 @p0 s7, $0x11  }
0xb1: {  	s8 =	sor.u32 @p0 s9, s8  }
0xb2: {  	[sflag:s8] =	ssyncadd.remote.s32 @p0 $0x1;
	_ =	sdelay $0x1  }
0xb3: {  	s8 =	simm.s32 @p0 $0x1B8D  }
0xb4: {  	_ =	swait.eq @p0 [sflag:s8], $0x1  }
0xb5: {  	[sflag:s8] =	ssyncadd.s32 @p0 $0xFFFFFFFF  }
0xb6: {  	s9 =	sshll.u32 @!p0 s1, $0xE  }
0xb7: {  	s9 =	sor.u32 @!p0 $0x4000, s9;
	s8 =	simm.s32 @!p0 $0x1B8D  }
0xb8: {  	s7 =	sshll.u32 @!p0 s7, $0x11;
	s9 =	sadd.s32 @!p0 $0x11B8D, s9;
	_ =	swait.eq @!p0 [sflag:s8], $0x1  }
0xb9: {  	s7 =	sor.u32 @!p0 s7, s9;
	[sflag:s8] =	ssyncadd.s32 @!p0 $0xFFFFFFFF  }
0xba: {  	s25 =	simm.s32 $0x1B8E;
	s24 =	sld [smem:$0x3FFE];
	[sflag:s7] =	ssyncadd.remote.s32 @!p0 $0x1  }
0xbb: {  	s26 =	simm.s32 $execute0_lowered;
	[smem:$0x3FD2] =	sst s25  }
0xbc: {  	s8 =	sshll.u32 s26, $0x1;
	_ =	strace $0x8000004C;
	[dreg:$0x1] =	wrdreg $0xFFFFFFFF  }
0xbd: {  	s28 =	simm.s32 $_size_execute0_lowered;
	s6 =	sadd.s32 s6, s8;
	[dreg:$0x0] =	wrdreg $0x0  }
0xbe: {  	s8 =	sshll.u32 s28, $0x1;
	[dreg:$0x2] =	wrdreg s6  }
0xbf: {  	[dreg:$0x3] =	wrdreg s8  }
0xc0: {  	[dreg:$0x4] =	wrdreg $0xC0  }
0xc1: {  	_ =	task [dreg:s22], $0x5FFFF  }
0xc2: {  	[dreg:$0x1] =	wrdreg $0xFFFFFFFF  }
0xc3: {  	[dreg:$0x0] =	wrdreg $0x60  }
0xc4: {  	[dreg:$0x2] =	wrdreg s2  }
0xc5: {  	[dreg:$0x3] =	wrdreg s16  }
0xc6: {  	[dreg:$0x4] =	wrdreg s24  }
0xc7: {  	[dreg:$0x5] =	wrdreg s17  }
0xc8: {  	[dreg:$0x6] =	wrdreg $0xA  }
0xc9: {  	_ =	task.clear_ibuf [dreg:s22], $0x7FFFF;
	_ =	strace $0x9000004C  }
0xca: {  	s29 =	simm.s32 $0xA;
	_ =	strace $0x8000004E  }
0xcb: {  	_ =	swait.ge [sflag:s29], $0x1  }
0xcc: {  	[sflag:s29] =	ssyncadd.s32 $0xFFFFFFFF  }
0xcd: {  	_ =	strace $0x9000004E  }
0xce: {  	_ =	sfence  }
0xcf: {  	s30 =	sld [smem:$0x0];
	_ =	sdelay $0x2  }
0xd0: {  	s31 =	sshll.u32 s1, $0xD;
	s1 =	sshrl.u32 s1, $0x2  }
0xd1: {  	s3 =	sand.u32 $0x4000, s31;
	s1 =	sadd.s32 s1, s30  }
0xd2: {  	s0 =	sor.u32 s3, s0;
	s1 =	sshll.u32 s1, $0x11  }
0xd3: {  	s0 =	sor.u32 s1, s0  }
0xd4: {  	s0 =	sadd.s32 $0x8F2B, s0  }
0xd5: {  	[sflag:s0] =	ssyncadd.remote.s32 $0x1  }
0xd6: {  	_ =	sfence.sel $0xFFFF  }
0xd7: {  	[dreg:$0x0] =	wrdreg $0xFFFFFFFF;
	(pc) =	sbr.abs _section_cstart, $3  }
0xd8: {  	[dreg:$0x1] =	wrdreg $0xFFFFFFFF  }
0xd9: {  	_ =	task.clear_ibuf [dreg:s22], $0x2FFFF;
	_ =	strace $0x9FFFFFFF  }
0xda: {  	(tm) =	ssettm $0x7FFFFFFF  }
0xdb: {  	_ =	shalt  }
tec
execute0_lowered:
.L_overlay_start_1:
0x0: {  	(tag) =	ssettag $0x1  }
0x1: {  	s2 =	rddreg [dreg:$0x0]  }
0x2: {  	s5 =	rddreg [dreg:$0x1]  }
0x3: {  	s11 =	rddreg [dreg:$0x2]  }
0x4: {  	s1 =	srdreg.scid;
	s0 =	stileid.u32  }
0x5: {  	s3 =	rddreg [dreg:$0x3];
	s12 =	sand.u32 $0x1, s1;
	s6 =	sshll.u32 s0, $0x1  }
0x6: {  	s4 =	simm.s32 $0x0;
	s1 =	rddreg [dreg:$0x4];
	s13 =	sor.u32 s12, s6  }
0x7: {  	[smem:$0x7FF] =	sst s4;
	s6 =	sshll.u32 s13, $0x6  }
0x8: {  	_ =	strace $0x8000004D;
	s5 =	sadd.s32 s5, s6;
	s6 =	simm.s32 $0x2  }
0x9: {  	[tilespmem:s4], [sflag:$0x2] =	stream.linear.gather [hbm4b:s5+s4], $0x200, $0x38;
	[tilespmem:$0x10400] =	vst v63  }
0xa: {  	_ =	swait.ge [sflag:s6], $0x200  }
0xb: {  	s8 =	simm.s32 $0x200;
	[sflag:s6] =	ssyncset.done $0x0  }
0xc: {  	s9 =	simm.s32 $0x1;
	s7 =	sadd.s32 $0x1C00, s11;
	[sflag:s6] =	ssyncadd.s32 $0xFFFFFE00  }
0xd: {  	[tilespmem:s8], [sflag:$0x1] =	stream.indirect.gather [hbm4b:s7+s8], $0x1, s4, s8, $0xb8;
	[tilespmem:$0x10400] =	vst v63  }
0xe: {  	_ =	swait.ge [sflag:s9], $0x200  }
0xf: {  	s12 =	ssub.s32 $0x2, s12;
	[sflag:s9] =	ssyncset.done $0x0  }
0x10: {  	s10 =	simm.s32 $0x400;
	s14 =	sshrl.u32 s12, $0x1;
	[sflag:s9] =	ssyncadd.s32 $0xFFFFFE00  }
0x11: {  	[tilespmem:s10], [sflag:$0x1] =	stream.indirect.gather [hbm4b:s2+s8], $0x80, s8, s8, $0xb8;
	[tilespmem:$0x10400] =	vst v63  }
0x12: {  	s12 =	ssub.s32 s12, s14;
	_ =	swait.ge [sflag:s9], $0x10000  }
0x13: {  	s12 =	smax.u32 s12, $0x1;
	[sflag:s9] =	ssyncset.done $0x0  }
0x14: {  	p0 =	sne.s32 s13, $0x0;
	s13 =	sadd.s32 $0xFFFFFFFF, s12;
	[sflag:s9] =	ssyncadd.s32 $0xFFFF0000  }
0x15: {  	[hbm4b:s3+s8] =	stream.indirect.scatter [tilespmem:s10], [sflag:$0x1], $0x80, s4, s8, $0xb8;
	[tilespmem:$0x10400] =	vst v63  }
0x16: {  	p1 =	sne.s32 s13, $0x0;
	_ =	swait.ge [sflag:s9], $0x10000  }
.Ltmp0:
0x17: {  	s11 =	sadd.s32 $0x1400, s11;
	[sflag:s9] =	ssyncset.done $0x0;
	(pc) =	sbr.rel @!p1 .LBB2_2-.Ltmp0, $4  }
0x18: {  	s14 =	simm.s32 @!p0 $0x0;
	s12 =	simm.s32 @!p0 $0x2;
	[sflag:s9] =	ssyncadd.s32 $0xFFFF0000  }
0x19: {  	[hbm4b:s11+s14] =	stream.linear.scatter @!p0 [tilespmem:s14], [sflag:$0x2], $0x10, $0x38;
	[tilespmem:$0x10400] =	vst v63  }
0x1a: {  	_ =	swait.ge @!p0 [sflag:s12], $0x10  }
0x1b: {  	[sflag:s12] =	ssyncset.done @!p0 $0x0  }
.LBB2_1:
0x1c: {  	s13 =	sadd.s32 $0xFFFFFFFF, s13;
	[sflag:s12] =	ssyncadd.s32 @!p0 $0xFFFFFFF0  }
0x1d: {  	[tilespmem:s4], [sflag:$0x2] =	stream.linear.gather [hbm4b:s5+s4], $0x200, $0x38;
	[tilespmem:$0x10400] =	vst v63  }
0x1e: {  	p1 =	sne.s32 s13, $0x0;
	_ =	swait.ge [sflag:s6], $0x200  }
0x1f: {  	[sflag:s6] =	ssyncset.done $0x0  }
0x20: {  	[sflag:s6] =	ssyncadd.s32 $0xFFFFFE00  }
0x21: {  	[tilespmem:s8], [sflag:$0x1] =	stream.indirect.gather [hbm4b:s7+s8], $0x1, s4, s8, $0xb8;
	[tilespmem:$0x10400] =	vst v63  }
0x22: {  	_ =	swait.ge [sflag:s9], $0x200  }
0x23: {  	[sflag:s9] =	ssyncset.done $0x0  }
0x24: {  	[sflag:s9] =	ssyncadd.s32 $0xFFFFFE00  }
0x25: {  	[tilespmem:s10], [sflag:$0x1] =	stream.indirect.gather [hbm4b:s2+s8], $0x80, s8, s8, $0xb8;
	[tilespmem:$0x10400] =	vst v63  }
0x26: {  	_ =	swait.ge [sflag:s9], $0x10000  }
0x27: {  	[sflag:s9] =	ssyncset.done $0x0  }
0x28: {  	[sflag:s9] =	ssyncadd.s32 $0xFFFF0000  }
0x29: {  	[hbm4b:s3+s8] =	stream.indirect.scatter [tilespmem:s10], [sflag:$0x1], $0x80, s4, s8, $0xb8;
	[tilespmem:$0x10400] =	vst v63  }
0x2a: {  	_ =	swait.ge [sflag:s9], $0x10000  }
.Ltmp1:
0x2b: {  	[sflag:s9] =	ssyncset.done $0x0;
	(pc) =	sbr.rel @p1 .LBB2_1-.Ltmp1, $4  }
0x2c: {  	[sflag:s9] =	ssyncadd.s32 $0xFFFF0000  }
0x2d: {  	[hbm4b:s11+s14] =	stream.linear.scatter @!p0 [tilespmem:s14], [sflag:$0x2], $0x10, $0x38;
	[tilespmem:$0x10400] =	vst v63  }
0x2e: {  	_ =	swait.ge @!p0 [sflag:s12], $0x10  }
0x2f: {  	[sflag:s12] =	ssyncset.done @!p0 $0x0  }
.LBB2_2:
0x30: {  	[sflag:s12] =	ssyncadd.s32 @!p0 $0xFFFFFFF0  }
0x31: {  	_ =	sfence.sel $0x180000  }
0x32: {  	[bflag:$0x0] =	sbarrier.arrive $0xFFFF  }
0x33: {  	p0 =	sne.s32 s0, $0x0;
	_ =	strace $0x9000004D  }
0x34: {  	s0 =	sadd.s32 @!p0 $0x100000, s1;
	[bflag:$0x2] =	sbarrier.arrive $0xFFFF  }
0x35: {  	[sflag:s0] =	ssyncadd.tile.s32 @!p0 $0x1;
	_ =	shalt  }
.Lfunc_end2:
_tile_overlayer_lowered:
.L_overlay_start_2:
0x36: {  	(tag) =	ssettag $0x2  }
0x37: {  	s0 =	rddreg [dreg:$0x0];
	s2 =	stileid.u32  }
0x38: {  	s1 =	rddreg [dreg:$0x1];
	p0 =	sne.s32 s2, $0x0  }
0x39: {  	s3 =	rddreg [dreg:$0x2];
	[bflag:$0x3] =	sbarrier.arrive $0xFFFF;
	s2 =	simm.s32 @!p0 $0x1C02  }
0x3a: {  	[timem:s3], [sflag:s2] =	dma.local @!p0 [hbm:s0], s1  }
0x3b: {  	s0 =	simm.s32 @!p0 $0x2  }
0x3c: {  	_ =	swait.ge @!p0 [sflag:s0], s1  }
0x3d: {  	s1 =	ssub.s32 @!p0 $0x0, s1;
	[sflag:s0] =	ssyncset.done @!p0 $0x0  }
0x3e: {  	[sflag:s0] =	ssyncadd.s32 @!p0 s1  }
0x3f: {  	[bflag:$0x3] =	sbarrier.arrive $0xFFFF  }
0x40: {  	_ =	shalt  }

// kernel: kernel.7.cloned.1.call-start
scs
__scs_entry_jumppad:
0x0: {  	(pc) =	sbr.rel $0x88, $3  }
0x1: {  	(tag) =	ssettag $0x0;
	lr =	simm.s32 $0x1  }
0x2: {  	[smem:$0x3F9B] =	sst lr;
	_ =	strace $0xD0000000  }
0x3: {  	_ = 	snop  }
0x4: {  	_ = 	snop  }
0x5: {  	_ = 	snop  }
0x6: {  	_ = 	snop  }
0x7: {  	_ = 	snop  }
__scs_overlays_trampoline_lowered:
0x8: {  	[smem:$0x3FAA] =	sst s0  }
0x9: {  	[smem:$0x3FAB] =	sst s1  }
0xa: {  	[smem:$0x3FAC] =	sst s2  }
0xb: {  	[smem:$0x3FAD] =	sst s3  }
0xc: {  	[smem:$0x3FAE] =	sst s4  }
0xd: {  	[smem:$0x3FAF] =	sst s5  }
0xe: {  	[smem:$0x3FB0] =	sst s6  }
0xf: {  	[smem:$0x3FB1] =	sst s7  }
0x10: {  	[smem:$0x3FB2] =	sst s8  }
0x11: {  	[smem:$0x3FB3] =	sst s9;
	s0 =	simm.s32 @!p0 $0x0  }
0x12: {  	s1 =	sld [smem:$0x3F99];
	s0 =	simm.s32 @p0 $0x1  }
0x13: {  	[smem:$0x3FB4] =	sst s0;
	s0 =	simm.s32 @!p1 $0x0  }
0x14: {  	s2 =	sld [smem:$0x3F98];
	s0 =	simm.s32 @p1 $0x1  }
0x15: {  	[smem:$0x3FB5] =	sst s0;
	s0 =	simm.s32 @!p2 $0x0  }
0x16: {  	s3 =	sld [smem:$0x3FDB];
	s0 =	simm.s32 @p2 $0x1  }
0x17: {  	s4 =	simm.s32 $0x1BF5;
	[smem:$0x3FB7] =	sst s0  }
0x18: {  	s0 =	sld [smem:$0x3F9A];
	_ =	swait.ge [sflag:s4], $0x0  }
0x19: {  	s7 =	sld [smem:$0x3F9B]  }
0x1a: {  	s8 =	sadd.s32 $0xFFFFE003, lr  }
0x1b: {  	s9 =	sadd.s32 $0xFFFFFEF7, lr;
	s5 =	simm.s32 $0xFFFFFFFF;
	p2 =	slt.u32 s8, $0xFFFFF086  }
0x1c: {  	p1 =	slt.u32 s9, $0xF7A;
	s5 =	simm.s32 @!p2 $0x0  }
0x1d: {  	s5 =	simm.s32 @p1 $0x1;
	p0 =	seq.s32 s7, s2  }
0x1e: {  	s7 =	smul.u32 @!p0 $0xF7A, s2;
	p2 =	seq.s32 @!p0 s5, $0x0  }
0x1f: {  	s9 =	smul.u32 $0xF7A, s1;
	s8 =	simm.s32 @!p0 $0x1BF5;
	p2 =	por !p2, p0  }
0x20: {  	[sflag:s8] =	ssyncset.s32 @!p0 $0xFFFFF086;
	s6 =	sadd.s32 @!p0 s3, s7;
	s7 =	simm.s32 @!p0 $0x108  }
0x21: {  	s3 =	sadd.s32 s3, s9;
	s6 =	sadd.s32 @!p0 $0x88, s6;
	s7 =	simm.s32 @p2 $0x1082  }
0x22: {  	[simem:s7], [sflag:s8] =	dma.local @!p0 [hbm:s6], $0xF7A  }
0x23: {  	s9 =	sor.u32 $0xD0000000, s2;
	s6 =	simm.s32 $0x108;
	_ =	swait.ge @!p0 [sflag:s8], $0x0  }
0x24: {  	s3 =	sadd.s32 $0x88, s3;
	s6 =	simm.s32 @!p1 $0x1082;
	[sflag:s4] =	ssyncset.s32 $0xFFFFF086  }
0x25: {  	[simem:s6], [sflag:s4] =	dma.local [hbm:s3], $0xF7A  }
0x26: {  	[smem:$0x3F9B] =	sst s1;
	(tag) =	ssettag s2;
	_ =	strace s9  }
0x27: {  	s1 =	sld [smem:$0x3FAB]  }
0x28: {  	s2 =	sld [smem:$0x3FAC]  }
0x29: {  	s4 =	sld [smem:$0x3FAE]  }
0x2a: {  	p0 =	seq.s32 s5, $0x0;
	s5 =	sld [smem:$0x3FAF]  }
0x2b: {  	s6 =	sld [smem:$0x3FB0]  }
0x2c: {  	s7 =	sld [smem:$0x3FB1]  }
0x2d: {  	s3 =	simm.s32 $0x108;
	s8 =	sld [smem:$0x3FB2]  }
0x2e: {  	s3 =	simm.s32 @!p0 $0x1082;
	s9 =	sld [smem:$0x3FB3]  }
0x2f: {  	lr =	sadd.s32 s0, s3;
	s0 =	sld [smem:$0x3FAA]  }
0x30: {  	s3 =	sld [smem:$0x3FAD]  }
0x31: {  	[smem:$0x3FB6] =	sst s10  }
0x32: {  	s10 =	sld [smem:$0x3FB4];
	_ =	sdelay $0x3  }
0x33: {  	p0 =	seq.s32 s10, $0x1;
	s10 =	sld [smem:$0x3FB6];
	_ =	sdelay $0x3  }
0x34: {  	[smem:$0x3FB6] =	sst s10  }
0x35: {  	s10 =	sld [smem:$0x3FB5];
	_ =	sdelay $0x3  }
0x36: {  	p1 =	seq.s32 s10, $0x1;
	s10 =	sld [smem:$0x3FB6];
	_ =	sdelay $0x3  }
0x37: {  	[smem:$0x3FB6] =	sst s10  }
0x38: {  	s10 =	sld [smem:$0x3FB7]  }
0x39: {  	_ = 	snop;
	(pc) =	sbr.ind lr, $3  }
0x3a: {  	_ = 	snop  }
0x3b: {  	_ = 	snop  }
0x3c: {  	p2 =	seq.s32 s10, $0x1;
	s10 =	sld [smem:$0x3FB6]  }
0x3d: {  	_ =	shalt  }
0x3e: {  	_ =	shalt  }
0x3f: {  	_ =	shalt  }
0x40: {  	_ =	shalt  }
0x41: {  	_ =	shalt  }
0x42: {  	_ =	shalt  }
0x43: {  	_ =	shalt  }
0x44: {  	_ =	shalt  }
0x45: {  	_ =	shalt  }
0x46: {  	_ =	shalt  }
0x47: {  	_ =	shalt  }
0x48: {  	_ =	shalt  }
0x49: {  	_ =	shalt  }
0x4a: {  	_ =	shalt  }
0x4b: {  	_ =	shalt  }
0x4c: {  	_ =	shalt  }
0x4d: {  	_ =	shalt  }
0x4e: {  	_ =	shalt  }
0x4f: {  	_ =	shalt  }
0x50: {  	_ =	shalt  }
0x51: {  	_ =	shalt  }
0x52: {  	_ =	shalt  }
0x53: {  	_ =	shalt  }
0x54: {  	_ =	shalt  }
0x55: {  	_ =	shalt  }
0x56: {  	_ =	shalt  }
0x57: {  	_ =	shalt  }
0x58: {  	_ =	shalt  }
0x59: {  	_ =	shalt  }
0x5a: {  	_ =	shalt  }
0x5b: {  	_ =	shalt  }
0x5c: {  	_ =	shalt  }
0x5d: {  	_ =	shalt  }
0x5e: {  	_ =	shalt  }
0x5f: {  	_ =	shalt  }
0x60: {  	_ =	shalt  }
0x61: {  	_ =	shalt  }
0x62: {  	_ =	shalt  }
0x63: {  	_ =	shalt  }
0x64: {  	_ =	shalt  }
0x65: {  	_ =	shalt  }
0x66: {  	_ =	shalt  }
0x67: {  	_ =	shalt  }
0x68: {  	_ =	shalt  }
0x69: {  	_ =	shalt  }
0x6a: {  	_ =	shalt  }
0x6b: {  	_ =	shalt  }
0x6c: {  	_ =	shalt  }
0x6d: {  	_ =	shalt  }
0x6e: {  	_ =	shalt  }
0x6f: {  	_ =	shalt  }
0x70: {  	_ =	shalt  }
0x71: {  	_ =	shalt  }
0x72: {  	_ =	shalt  }
0x73: {  	_ =	shalt  }
0x74: {  	_ =	shalt  }
0x75: {  	_ =	shalt  }
0x76: {  	_ =	shalt  }
0x77: {  	_ =	shalt  }
0x78: {  	_ =	shalt  }
0x79: {  	_ =	shalt  }
0x7a: {  	_ =	shalt  }
0x7b: {  	_ =	shalt  }
0x7c: {  	_ =	shalt  }
0x7d: {  	_ =	shalt  }
0x7e: {  	_ =	shalt  }
0x7f: {  	_ =	shalt  }
0x80: {  	_ =	shalt  }
0x81: {  	_ =	shalt  }
0x82: {  	_ =	shalt  }
0x83: {  	_ =	shalt  }
0x84: {  	_ =	shalt  }
0x85: {  	_ =	shalt  }
0x86: {  	_ =	shalt  }
0x87: {  	_ =	shalt  }
.Lfunc_end0:
.L_simem_size_0:
called_computation_lowered:
.L_overlay_start_0:
0x88: {  	s2 =	sld [smem:$0x3FD9]  }
0x89: {  	s3 =	sld [smem:$0x3FFE];
	_ =	sdelay $0x1  }
0x8a: {  	s1 =	srdreg.scid  }
0x8b: {  	s0 =	sand.u32 $0x1, s1  }
0x8c: {  	s16 =	sshll.u32 s0, $0xA;
	s2 =	sadd.s32 s3, s2  }
0x8d: {  	s2 =	sadd.s32 s2, s16  }
0x8e: {  	[smem:$0x3FC2] =	sst s2  }
0x8f: {  	_ = 	snop  }
0x90: {  	s4 =	sld [smem:$0x3FD0];
	_ =	sdelay $0x1  }
0x91: {  	s2 =	sld [smem:$0x3FC9]  }
0x92: {  	s5 =	simm.s32 $0xB;
	s6 =	simm.s32 $0x10;
	s17 =	sld [smem:$0x3FC4]  }
0x93: {  	[smem:s6], [sflag:s5] =	dma.local [hbm:s4], $0x1  }
0x94: {  	_ =	swait.eq [sflag:s5], $0x1  }
0x95: {  	[sflag:s5] =	ssyncset.done $0x0  }
0x96: {  	[sflag:s5] =	ssyncadd.s32 $0xFFFFFFFF  }
0x97: {  	s18 =	sld [smem:$0x10];
	(tm) =	ssettm $0x1  }
0x98: {  	s19 =	sld [smem:$0x3FFB];
	_ =	sdelay $0x3  }
0x99: {  	_ =	strace s19  }
0x9a: {  	s4 =	sld [smem:$0x3FFC];
	_ =	sdelay $0x3  }
0x9b: {  	_ =	strace s4  }
0x9c: {  	s4 =	sld [smem:$0x3FFD];
	_ =	sdelay $0x3  }
0x9d: {  	_ =	strace s4  }
0x9e: {  	_ =	strace $0x8FFFFFFF  }
0x9f: {  	s20 =	sld [smem:$0x3FDB];
	_ =	sdelay $0x1  }
0xa0: {  	s21 =	simm.s32 $_scs_section_size  }
0xa1: {  	s7 =	simm.s32 $_size__tile_overlayer_lowered;
	s8 =	simm.s32 $_tile_overlayer_lowered  }
0xa2: {  	s9 =	simm.s32 $0x1BFF;
	s22 =	sshll.u32 s8, $0x1;
	s6 =	sadd.s32 s21, s20  }
0xa3: {  	s23 =	simm.s32 $0x0;
	s7 =	sshll.u32 s7, $0x1;
	s8 =	sadd.s32 s22, s6  }
0xa4: {  	[timem:s23], [sflag:s9] =	dma.local [hbm:s8], s7  }
0xa5: {  	_ =	swait.ge [sflag:s9], s7  }
0xa6: {  	s7 =	ssub.s32 $0x0, s7;
	[sflag:s9] =	ssyncset.done $0x0  }
0xa7: {  	[sflag:s9] =	ssyncadd.s32 s7;
	_ =	sdelay $0x1  }
0xa8: {  	s24 =	simm.s32 $0x1B8B  }
0xa9: {  	_ =	swait.ge [sflag:s24], $0x1  }
0xaa: {  	[sflag:s24] =	ssyncset.done $0x0  }
0xab: {  	[sflag:s24] =	ssyncadd.s32 $0xFFFFFFFF  }
0xac: {  	s7 =	sld [smem:$0x0]  }
0xad: {  	s8 =	sand.u32 $0xFFFFFFFE, s1  }
0xae: {  	p0 =	sne.s32 s1, s8  }
0xaf: {  	s8 =	sshll.u32 @p0 s8, $0xE  }
0xb0: {  	s8 =	sadd.s32 @p0 $0x11B8D, s8;
	s9 =	sshll.u32 @p0 s7, $0x11  }
0xb1: {  	s8 =	sor.u32 @p0 s9, s8  }
0xb2: {  	[sflag:s8] =	ssyncadd.remote.s32 @p0 $0x1;
	_ =	sdelay $0x1  }
0xb3: {  	s8 =	simm.s32 @p0 $0x1B8D  }
0xb4: {  	_ =	swait.eq @p0 [sflag:s8], $0x1  }
0xb5: {  	[sflag:s8] =	ssyncadd.s32 @p0 $0xFFFFFFFF  }
0xb6: {  	s9 =	sshll.u32 @!p0 s1, $0xE  }
0xb7: {  	s9 =	sor.u32 @!p0 $0x4000, s9;
	s8 =	simm.s32 @!p0 $0x1B8D  }
0xb8: {  	s7 =	sshll.u32 @!p0 s7, $0x11;
	s9 =	sadd.s32 @!p0 $0x11B8D, s9;
	_ =	swait.eq @!p0 [sflag:s8], $0x1  }
0xb9: {  	s7 =	sor.u32 @!p0 s7, s9;
	[sflag:s8] =	ssyncadd.s32 @!p0 $0xFFFFFFFF  }
0xba: {  	s25 =	simm.s32 $0x1B8E;
	[sflag:s7] =	ssyncadd.remote.s32 @!p0 $0x1  }
0xbb: {  	s26 =	simm.s32 $execute0_lowered;
	[smem:$0x3FD2] =	sst s25  }
0xbc: {  	s7 =	sshll.u32 s26, $0x1;
	_ =	strace $0x80000049;
	[dreg:$0x1] =	wrdreg $0xFFFFFFFF  }
0xbd: {  	s28 =	simm.s32 $_size_execute0_lowered;
	s6 =	sadd.s32 s6, s7;
	[dreg:$0x0] =	wrdreg $0x0  }
0xbe: {  	s7 =	sshll.u32 s28, $0x1;
	[dreg:$0x2] =	wrdreg s6  }
0xbf: {  	[dreg:$0x3] =	wrdreg s7  }
0xc0: {  	[dreg:$0x4] =	wrdreg $0xC0  }
0xc1: {  	_ =	task [dreg:s23], $0x5FFFF  }
0xc2: {  	[dreg:$0x1] =	wrdreg $0xFFFFFFFF  }
0xc3: {  	[dreg:$0x0] =	wrdreg $0x60  }
0xc4: {  	[dreg:$0x2] =	wrdreg s2  }
0xc5: {  	[dreg:$0x3] =	wrdreg s17  }
0xc6: {  	[dreg:$0x4] =	wrdreg s18  }
0xc7: {  	[dreg:$0x5] =	wrdreg $0x9  }
0xc8: {  	_ =	task.clear_ibuf [dreg:s23], $0x6FFFF;
	_ =	strace $0x90000049  }
0xc9: {  	s29 =	simm.s32 $0x9;
	_ =	strace $0x8000004B  }
0xca: {  	_ =	swait.ge [sflag:s29], $0x1  }
0xcb: {  	[sflag:s29] =	ssyncadd.s32 $0xFFFFFFFF  }
0xcc: {  	_ =	strace $0x9000004B  }
0xcd: {  	_ =	sfence  }
0xce: {  	s30 =	sld [smem:$0x0];
	_ =	sdelay $0x2  }
0xcf: {  	s31 =	sshll.u32 s1, $0xD;
	s1 =	sshrl.u32 s1, $0x2  }
0xd0: {  	s3 =	sand.u32 $0x4000, s31;
	s1 =	sadd.s32 s1, s30  }
0xd1: {  	s0 =	sor.u32 s3, s0;
	s1 =	sshll.u32 s1, $0x11  }
0xd2: {  	s0 =	sor.u32 s1, s0  }
0xd3: {  	s0 =	sadd.s32 $0x8F2B, s0  }
0xd4: {  	[sflag:s0] =	ssyncadd.remote.s32 $0x1  }
0xd5: {  	_ =	sfence.sel $0xFFFF  }
0xd6: {  	[dreg:$0x0] =	wrdreg $0xFFFFFFFF;
	(pc) =	sbr.abs _section_cstart, $3  }
0xd7: {  	[dreg:$0x1] =	wrdreg $0xFFFFFFFF  }
0xd8: {  	_ =	task.clear_ibuf [dreg:s23], $0x2FFFF;
	_ =	strace $0x9FFFFFFF  }
0xd9: {  	(tm) =	ssettm $0x7FFFFFFF  }
tec
execute0_lowered:
.L_overlay_start_1:
0x0: {  	(tag) =	ssettag $0x1  }
0x1: {  	s1 =	rddreg [dreg:$0x0];
	s2 =	srdreg.scid  }
0x2: {  	s4 =	rddreg [dreg:$0x1];
	s0 =	stileid.u32;
	s16 =	sand.u32 $0x1, s2  }
0x3: {  	s10 =	rddreg [dreg:$0x2];
	s5 =	sshll.u32 s0, $0xA;
	s6 =	sshll.u32 s16, $0x9  }
0x4: {  	s3 =	simm.s32 $0x0;
	s2 =	rddreg [dreg:$0x3];
	s11 =	sor.u32 s6, s5  }
0x5: {  	[smem:$0x7FF] =	sst s3;
	s5 =	sshrl.u32 s11, $0x3  }
0x6: {  	_ =	strace $0x8000004A;
	s4 =	sadd.s32 s4, s5;
	s5 =	simm.s32 $0x3  }
0x7: {  	[tilespmem:s3], [sflag:$0x3] =	stream.linear.gather [hbm4b:s4+s3], $0x200, $0x38;
	[tilespmem:$0x8200] =	vst v63  }
0x8: {  	_ =	swait.ge [sflag:s5], $0x200  }
0x9: {  	[sflag:s5] =	ssyncset.done $0x0  }
0xa: {  	s7 =	simm.s32 $0x200;
	s6 =	simm.s32 $0x80;
	[sflag:s5] =	ssyncadd.s32 $0xFFFFFE00  }
0xb: {  	[tilespmem:s7], [sflag:$0x1] =	stream.indirect.gather [hbm4b:s1+s6], $0x80, s3, s6, $0xb8;
	[tilespmem:$0x8200] =	vst v63  }
0xc: {  	s8 =	simm.s32 $0x4200;
	s9 =	simm.s32 $0x1  }
0xd: {  	[tilespmem:s8], [sflag:$0x2] =	stream.indirect.gather [hbm4b:s1+s6], $0x80, s6, s6, $0xb8;
	[tilespmem:$0x8200] =	vst v63  }
0xe: {  	_ =	swait.ge [sflag:s9], $0x4000  }
0xf: {  	s11 =	sshll.u32 s11, $0x4;
	[sflag:s9] =	ssyncset.done $0x0  }
0x10: {  	s11 =	sadd.s32 s10, s11;
	s10 =	simm.s32 $0x2;
	[sflag:s9] =	ssyncadd.s32 $0xFFFFC000  }
0x11: {  	[hbm4b:s11+s3] =	stream.linear.scatter [tilespmem:s7], [sflag:$0x1], $0x4000, $0x38;
	[tilespmem:$0x8200] =	vst v63  }
0x12: {  	_ =	swait.ge [sflag:s10], $0x4000  }
0x13: {  	[sflag:s10] =	ssyncset.done $0x0  }
0x14: {  	s12 =	sadd.s32 $0x800, s11;
	[sflag:s10] =	ssyncadd.s32 $0xFFFFC000  }
0x15: {  	[hbm4b:s12+s3] =	stream.linear.scatter [tilespmem:s8], [sflag:$0x2], $0x4000, $0x38;
	[tilespmem:$0x8200] =	vst v63  }
0x16: {  	_ =	swait.ge [sflag:s9], $0x4000  }
0x17: {  	[sflag:s9] =	ssyncset.done $0x0  }
0x18: {  	s13 =	simm.s32 $0x100;
	[sflag:s9] =	ssyncadd.s32 $0xFFFFC000  }
0x19: {  	[tilespmem:s7], [sflag:$0x1] =	stream.indirect.gather [hbm4b:s1+s6], $0x80, s13, s6, $0xb8;
	[tilespmem:$0x8200] =	vst v63  }
0x1a: {  	_ =	swait.ge [sflag:s10], $0x4000  }
0x1b: {  	[sflag:s10] =	ssyncset.done $0x0  }
0x1c: {  	s14 =	simm.s32 $0x180;
	[sflag:s10] =	ssyncadd.s32 $0xFFFFC000  }
0x1d: {  	[tilespmem:s8], [sflag:$0x2] =	stream.indirect.gather [hbm4b:s1+s6], $0x80, s14, s6, $0xb8;
	[tilespmem:$0x8200] =	vst v63  }
0x1e: {  	_ =	swait.ge [sflag:s9], $0x4000  }
0x1f: {  	s17 =	ssub.s32 $0x2, s16;
	[sflag:s9] =	ssyncset.done $0x0  }
0x20: {  	s18 =	sshrl.u32 s17, $0x1;
	s15 =	sadd.s32 $0x1000, s11;
	[sflag:s9] =	ssyncadd.s32 $0xFFFFC000  }
0x21: {  	[hbm4b:s15+s3] =	stream.linear.scatter [tilespmem:s7], [sflag:$0x1], $0x4000, $0x38;
	[tilespmem:$0x8200] =	vst v63  }
0x22: {  	s17 =	ssub.s32 s17, s18;
	_ =	swait.ge [sflag:s10], $0x4000  }
0x23: {  	s17 =	smax.u32 s17, $0x1;
	[sflag:s10] =	ssyncset.done $0x0  }
0x24: {  	s16 =	sadd.s32 $0x1800, s11;
	p0 =	sne.s32 s17, $0x1;
	[sflag:s10] =	ssyncadd.s32 $0xFFFFC000  }
0x25: {  	[hbm4b:s16+s3] =	stream.linear.scatter [tilespmem:s8], [sflag:$0x2], $0x4000, $0x38;
	[tilespmem:$0x8200] =	vst v63  }
.Ltmp0:
0x26: {  	_ =	swait.ge [sflag:s9], $0x4000;
	(pc) =	sbr.rel @!p0 .LBB2_2-.Ltmp0, $4  }
0x27: {  	[sflag:s9] =	ssyncset.done $0x0  }
0x28: {  	[sflag:s9] =	ssyncadd.s32 $0xFFFFC000  }
0x29: {  	_ =	swait.ge [sflag:s10], $0x4000  }
0x2a: {  	s17 =	sadd.s32 $0xFFFFFFFF, s17;
	[sflag:s10] =	ssyncset.done $0x0  }
.LBB2_1:
0x2b: {  	p0 =	sne.s32 s17, $0x1;
	s17 =	sadd.s32 $0xFFFFFFFF, s17;
	[sflag:s10] =	ssyncadd.s32 $0xFFFFC000  }
0x2c: {  	[tilespmem:s3], [sflag:$0x3] =	stream.linear.gather [hbm4b:s4+s3], $0x200, $0x38;
	[tilespmem:$0x8200] =	vst v63  }
0x2d: {  	_ =	swait.ge [sflag:s5], $0x200  }
0x2e: {  	[sflag:s5] =	ssyncset.done $0x0  }
0x2f: {  	[sflag:s5] =	ssyncadd.s32 $0xFFFFFE00  }
0x30: {  	[tilespmem:s7], [sflag:$0x1] =	stream.indirect.gather [hbm4b:s1+s6], $0x80, s3, s6, $0xb8;
	[tilespmem:$0x8200] =	vst v63  }
0x31: {  	_ = 	snop  }
0x32: {  	[tilespmem:s8], [sflag:$0x2] =	stream.indirect.gather [hbm4b:s1+s6], $0x80, s6, s6, $0xb8;
	[tilespmem:$0x8200] =	vst v63  }
0x33: {  	_ =	swait.ge [sflag:s9], $0x4000  }
0x34: {  	[sflag:s9] =	ssyncset.done $0x0  }
0x35: {  	[sflag:s9] =	ssyncadd.s32 $0xFFFFC000  }
0x36: {  	[hbm4b:s11+s3] =	stream.linear.scatter [tilespmem:s7], [sflag:$0x1], $0x4000, $0x38;
	[tilespmem:$0x8200] =	vst v63  }
0x37: {  	_ =	swait.ge [sflag:s10], $0x4000  }
0x38: {  	[sflag:s10] =	ssyncset.done $0x0  }
0x39: {  	[sflag:s10] =	ssyncadd.s32 $0xFFFFC000  }
0x3a: {  	[hbm4b:s12+s3] =	stream.linear.scatter [tilespmem:s8], [sflag:$0x2], $0x4000, $0x38;
	[tilespmem:$0x8200] =	vst v63  }
0x3b: {  	_ =	swait.ge [sflag:s9], $0x4000  }
0x3c: {  	[sflag:s9] =	ssyncset.done $0x0  }
0x3d: {  	[sflag:s9] =	ssyncadd.s32 $0xFFFFC000  }
0x3e: {  	[tilespmem:s7], [sflag:$0x1] =	stream.indirect.gather [hbm4b:s1+s6], $0x80, s13, s6, $0xb8;
	[tilespmem:$0x8200] =	vst v63  }
0x3f: {  	_ =	swait.ge [sflag:s10], $0x4000  }
0x40: {  	[sflag:s10] =	ssyncset.done $0x0  }
0x41: {  	[sflag:s10] =	ssyncadd.s32 $0xFFFFC000  }
0x42: {  	[tilespmem:s8], [sflag:$0x2] =	stream.indirect.gather [hbm4b:s1+s6], $0x80, s14, s6, $0xb8;
	[tilespmem:$0x8200] =	vst v63  }
0x43: {  	_ =	swait.ge [sflag:s9], $0x4000  }
0x44: {  	[sflag:s9] =	ssyncset.done $0x0  }
0x45: {  	[sflag:s9] =	ssyncadd.s32 $0xFFFFC000  }
0x46: {  	[hbm4b:s15+s3] =	stream.linear.scatter [tilespmem:s7], [sflag:$0x1], $0x4000, $0x38;
	[tilespmem:$0x8200] =	vst v63  }
0x47: {  	_ =	swait.ge [sflag:s10], $0x4000  }
0x48: {  	[sflag:s10] =	ssyncset.done $0x0  }
0x49: {  	[sflag:s10] =	ssyncadd.s32 $0xFFFFC000  }
0x4a: {  	[hbm4b:s16+s3] =	stream.linear.scatter [tilespmem:s8], [sflag:$0x2], $0x4000, $0x38;
	[tilespmem:$0x8200] =	vst v63  }
.Ltmp1:
0x4b: {  	_ =	swait.ge [sflag:s9], $0x4000;
	(pc) =	sbr.rel @p0 .LBB2_1-.Ltmp1, $4  }
0x4c: {  	[sflag:s9] =	ssyncset.done $0x0  }
0x4d: {  	[sflag:s9] =	ssyncadd.s32 $0xFFFFC000  }
0x4e: {  	_ =	swait.ge [sflag:s10], $0x4000  }
0x4f: {  	[sflag:s10] =	ssyncset.done $0x0  }
.LBB2_2:
0x50: {  	[sflag:s10] =	ssyncadd.s32 $0xFFFFC000  }
0x51: {  	_ =	sfence.sel $0x180000  }
0x52: {  	[bflag:$0x0] =	sbarrier.arrive $0xFFFF  }
0x53: {  	p0 =	sne.s32 s0, $0x0;
	_ =	strace $0x9000004A  }
0x54: {  	s0 =	sadd.s32 @!p0 $0x100000, s2;
	[bflag:$0x2] =	sbarrier.arrive $0xFFFF  }
0x55: {  	[sflag:s0] =	ssyncadd.tile.s32 @!p0 $0x1;
	_ =	shalt  }
.Lfunc_end2:
_tile_overlayer_lowered:
.L_overlay_start_2:
0x56: {  	(tag) =	ssettag $0x2  }
0x57: {  	s0 =	rddreg [dreg:$0x0];
	s2 =	stileid.u32  }
0x58: {  	s1 =	rddreg [dreg:$0x1];
	p0 =	sne.s32 s2, $0x0  }
0x59: {  	s3 =	rddreg [dreg:$0x2];
	[bflag:$0x3] =	sbarrier.arrive $0xFFFF;
	s2 =	simm.s32 @!p0 $0x1C03  }
0x5a: {  	[timem:s3], [sflag:s2] =	dma.local @!p0 [hbm:s0], s1  }
0x5b: {  	s0 =	simm.s32 @!p0 $0x3  }
0x5c: {  	_ =	swait.ge @!p0 [sflag:s0], s1  }
0x5d: {  	s1 =	ssub.s32 @!p0 $0x0, s1;
	[sflag:s0] =	ssyncset.done @!p0 $0x0  }
0x5e: {  	[sflag:s0] =	ssyncadd.s32 @!p0 s1  }
0x5f: {  	[bflag:$0x3] =	sbarrier.arrive $0xFFFF  }
0x60: {  	_ =	shalt  }

</sc_bundles>
